<compile_context>
chip_gen: v7x
topology: tpu7x:2x2x1
jax: 0.10.2.dev20260603
libtpu: 0.0.44.dev20260713+nightly
codegen_flags: <defaults>
</compile_context>

<pallas_src>
import functools

import jax
import jax.numpy as jnp
from jax import lax
from jax.experimental import pallas as pl
from jax.experimental.pallas import tpu as pltpu
from jax.experimental.pallas import tpu_sc as plsc

M = 5000
NC, NS = 2, 16
NW = NC * NS
CAUG = 160
K = 125

_pcall = pl.pallas_call


def _sc_segsum(table, sidx, didx, zeros, s_out, s_pad):
    C = table.shape[1]
    dt = table.dtype
    ch = sidx.shape[0] // NW
    stripe = s_pad // NS
    out_tiles = NS if s_out % NS == 0 else 8
    ostripe = s_out // out_tiles
    mesh = plsc.VectorSubcoreMesh(core_axis_name="c", subcore_axis_name="s")

    @functools.partial(
        pl.kernel, mesh=mesh,
        compiler_params=pltpu.CompilerParams(use_tc_tiling_on_sc=False),
        out_type=jax.ShapeDtypeStruct((NC * s_out, C), dt),
        scratch_types=[
            pltpu.VMEM((ch, K), jnp.int32),
            pltpu.VMEM((ch, K), jnp.int32),
            pltpu.VMEM((K, C), dt),
            pltpu.VMEM((K, C), dt),
            pltpu.VMEM_SHARED((s_pad, C), dt),
            pltpu.SemaphoreType.DMA,
            pltpu.SemaphoreType.DMA,
        ])
    def run(table_h, sidx_h, didx_h, zeros_h, out_h,
            sidx_v, didx_v, rows0, rows1, acc, sem0, sem1):
        c = lax.axis_index("c")
        s = lax.axis_index("s")
        wid = c * NS + s
        pltpu.sync_copy(sidx_h.at[pl.ds(wid * ch, ch)], sidx_v)
        pltpu.sync_copy(didx_h.at[pl.ds(wid * ch, ch)], didx_v)
        pltpu.sync_copy(zeros_h.at[pl.ds(0, stripe)],
                        acc.at[pl.ds(s * stripe, stripe)])
        plsc.subcore_barrier()
        pltpu.async_copy(table_h.at[sidx_v.at[0]], rows0, sem0)

        def step(t, carry):
            j = 2 * t
            pltpu.async_copy(table_h.at[sidx_v.at[j + 1]], rows1, sem1)
            pltpu.make_async_copy(zeros_h.at[pl.ds(0, K)], rows0, sem0).wait()
            pltpu.sync_copy(rows0, acc.at[didx_v.at[j]], add=True)

            @pl.when(t + 1 < ch // 2)
            def _():
                pltpu.async_copy(table_h.at[sidx_v.at[j + 2]], rows0, sem0)

            pltpu.make_async_copy(zeros_h.at[pl.ds(0, K)], rows1, sem1).wait()
            pltpu.sync_copy(rows1, acc.at[didx_v.at[j + 1]], add=True)
            return carry

        lax.fori_loop(0, ch // 2, step, 0)
        plsc.subcore_barrier()

        @pl.when(s < out_tiles)
        def _():
            pltpu.sync_copy(acc.at[pl.ds(s * ostripe, ostripe)],
                            out_h.at[pl.ds(c * s_out + s * ostripe, ostripe)])

    return run(table, sidx, didx, zeros)


def _proj_body(x_ref, wcat_ref, bcat_ref, wz_ref, c16_ref, out_ref):
    xw = jnp.dot(x_ref[...], wcat_ref[...], preferred_element_type=jnp.float32)
    xw = xw + bcat_ref[...]
    aux = jnp.dot(xw, wz_ref[...], preferred_element_type=jnp.float32) + c16_ref[...]
    out_ref[...] = jnp.concatenate(
        [xw, aux, jnp.zeros_like(aux)], axis=1).astype(jnp.bfloat16)


def _edge_body(p0_ref, p1_ref, r_ref, m16_ref, out_ref):
    p0 = p0_ref[0].astype(jnp.float32)
    p1 = p1_ref[0].astype(jnp.float32)
    esum = p0[:, :128] + p1[:, :128]
    aux = p0[:, 128:144] + p1[:, 128:144]
    cnt = aux[:, 4:5]
    inv = 1.0 / jnp.maximum(cnt, 1.0)
    alpha128 = jnp.dot(aux, r_ref[...], preferred_element_type=jnp.float32) * inv
    g128 = jnp.exp(jnp.where(alpha128 >= 0.0, alpha128, 0.2 * alpha128))
    yg = g128 * (esum * inv)
    alpha16 = aux * inv
    g16 = jnp.exp(jnp.where(alpha16 >= 0.0, alpha16, 0.2 * alpha16)) * m16_ref[...]
    out_ref[...] = jnp.concatenate(
        [yg, g16, jnp.zeros_like(g16)], axis=1).astype(jnp.bfloat16)


def _final_body(p0_ref, p1_ref, x_ref, r_ref, convw_ref,
                convb_ref, lng_ref, lnb_ref, gam_ref, out_ref):
    p0 = p0_ref[0].astype(jnp.float32)
    p1 = p1_ref[0].astype(jnp.float32)
    numer = p0[:, :128] + p1[:, :128]
    aux = p0[:, 128:144] + p1[:, 128:144]
    den128 = jnp.dot(aux, r_ref[...], preferred_element_type=jnp.float32) + 1e-12
    o = numer / den128
    o = jnp.where(o > 0.0, o, jnp.exp(jnp.minimum(o, 0.0)) - 1.0)
    mu = jnp.mean(o, axis=1, keepdims=True)
    xc = o - mu
    var = jnp.mean(xc * xc, axis=1, keepdims=True)
    xn = xc * lax.rsqrt(var + 1e-6) * lng_ref[...] + lnb_ref[...]
    xg = 0.5 * xn * (1.0 + lax.erf(xn * 0.7071067811865476))
    xo = jnp.dot(xg, convw_ref[...], preferred_element_type=jnp.float32)
    xo = xo + convb_ref[...]
    out_ref[...] = x_ref[...] + gam_ref[...] * xo


def kernel(X, theta_W, theta_b, atten_e_W, ln_g, ln_b, conv_W, conv_b, gamma,
           v_idx, e_idx):
    N, D = X.shape
    H, _, DH = theta_W.shape
    P = v_idx.shape[0]
    m_pad = ((M + NS * 8 - 1) // (NS * 8)) * (NS * 8)

    f32 = jnp.float32
    bf16 = jnp.bfloat16
    Wcat = jnp.transpose(theta_W, (1, 0, 2)).reshape(D, H * DH)
    bcat = theta_b.reshape(1, H * DH)
    Wz = (jnp.eye(H, dtype=f32)[:, None, :] * atten_e_W[:, :, None]).reshape(H * DH, H)
    Wz16 = jnp.pad(Wz, ((0, 0), (0, 16 - H)))
    c16 = jnp.zeros((1, 16), f32).at[0, H].set(1.0)
    R = jnp.pad(jnp.repeat(jnp.eye(H, dtype=f32), DH, axis=1), ((0, 16 - H), (0, 0)))
    m16 = jnp.zeros((1, 16), f32).at[0, :H].set(1.0)
    zeros = jnp.zeros((N // NS + 15, CAUG), bf16)
    v2d = v_idx.reshape(P // K, K)
    e2d = e_idx.reshape(P // K, K)

    bn = 1000
    xwaug = _pcall(
        _proj_body,
        grid=(N // bn,),
        in_specs=[
            pl.BlockSpec((bn, D), lambda i: (i, 0)),
            pl.BlockSpec((D, D), lambda i: (0, 0)),
            pl.BlockSpec((1, D), lambda i: (0, 0)),
            pl.BlockSpec((D, 16), lambda i: (0, 0)),
            pl.BlockSpec((1, 16), lambda i: (0, 0)),
        ],
        out_specs=pl.BlockSpec((bn, CAUG), lambda i: (i, 0)),
        out_shape=jax.ShapeDtypeStruct((N, CAUG), bf16),
    )(X, Wcat, bcat, Wz16, c16)

    eb = _sc_segsum(xwaug, v2d, e2d, zeros, M, m_pad).reshape(NC, M, CAUG)

    bm = 1000
    yaug = _pcall(
        _edge_body,
        grid=(M // bm,),
        in_specs=[
            pl.BlockSpec((1, bm, CAUG), lambda i: (0, i, 0)),
            pl.BlockSpec((1, bm, CAUG), lambda i: (1, i, 0)),
            pl.BlockSpec((16, D), lambda i: (0, 0)),
            pl.BlockSpec((1, 16), lambda i: (0, 0)),
        ],
        out_specs=pl.BlockSpec((bm, CAUG), lambda i: (i, 0)),
        out_shape=jax.ShapeDtypeStruct((M, CAUG), bf16),
    )(eb, eb, R, m16)

    vb = _sc_segsum(yaug, e2d, v2d, zeros, N, N).reshape(NC, N, CAUG)

    out = _pcall(
        _final_body,
        grid=(N // bn,),
        in_specs=[
            pl.BlockSpec((1, bn, CAUG), lambda i: (0, i, 0)),
            pl.BlockSpec((1, bn, CAUG), lambda i: (1, i, 0)),
            pl.BlockSpec((bn, D), lambda i: (i, 0)),
            pl.BlockSpec((16, D), lambda i: (0, 0)),
            pl.BlockSpec((D, D), lambda i: (0, 0)),
            pl.BlockSpec((1, D), lambda i: (0, 0)),
            pl.BlockSpec((1, D), lambda i: (0, 0)),
            pl.BlockSpec((1, D), lambda i: (0, 0)),
            pl.BlockSpec((1, D), lambda i: (0, 0)),
        ],
        out_specs=pl.BlockSpec((bn, D), lambda i: (i, 0)),
        out_shape=jax.ShapeDtypeStruct((N, D), f32),
    )(vb, vb, X, R, conv_W, conv_b.reshape(1, D),
      ln_g.reshape(1, D), ln_b.reshape(1, D), gamma.reshape(1, D))
    return out

# --- scband reference (transcript-rebuilt; emitter-appended) ---
"""Pipeline reference for scband-att-block-83210696393001 (READ-ONLY COPY).

The authoritative reference and input builder live on the scoring server;
editing this copy changes nothing except your own understanding.
"""

import jax, jax.numpy as jnp
import numpy as np

N = 10000   # num vertices
M = 5000    # num hyperedges
P = 320000  # num incidence pairs
D = 128     # in/out channels
H = 4       # heads
DH = 32     # hid_channels // num_heads


def setup_inputs(seed: int = 0) -> dict:
    key = jax.random.key(seed)
    ks = jax.random.split(key, 8)
    X = jax.random.normal(ks[0], (N, D), dtype=jnp.float32)
    v_idx = jax.random.randint(ks[1], (P,), 0, N, dtype=jnp.int32)
    e_idx = jax.random.randint(ks[2], (P,), 0, M, dtype=jnp.int32)
    # per-head UniGATConv params (stacked over heads)
    theta_W = jax.random.normal(ks[3], (H, D, DH), dtype=jnp.float32) * (1.0 / np.sqrt(D))
    theta_b = jnp.zeros((H, DH), dtype=jnp.float32)
    atten_e_W = jax.random.normal(ks[4], (H, DH), dtype=jnp.float32) * (1.0 / np.sqrt(DH))
    # LayerNorm
    ln_g = jnp.ones((D,), dtype=jnp.float32)
    ln_b = jnp.zeros((D,), dtype=jnp.float32)
    # output Linear (hid -> out)
    conv_W = jax.random.normal(ks[5], (D, D), dtype=jnp.float32) * (1.0 / np.sqrt(D))
    conv_b = jnp.zeros((D,), dtype=jnp.float32)
    # layer scale gamma
    gamma = 1e-06 * jnp.ones((D,), dtype=jnp.float32)
    return {"X": X, "theta_W": theta_W, "theta_b": theta_b, "atten_e_W": atten_e_W,
            "ln_g": ln_g, "ln_b": ln_b, "conv_W": conv_W, "conv_b": conv_b,
            "gamma": gamma, "v_idx": v_idx, "e_idx": e_idx}


def _unigat_head(X, Wt, bt, We, v_idx, e_idx):
    # theta linear
    Xh = X @ Wt + bt                                   # [N, DH]
    # v2e mean aggregation: hyperedge features
    msg = Xh[v_idx]                                    # [P, DH] gather
    esum = jax.ops.segment_sum(msg, e_idx, num_segments=M)
    ecnt = jax.ops.segment_sum(jnp.ones((P,), jnp.float32), e_idx, num_segments=M)
    Y = esum / jnp.clip(ecnt, 1.0, None)[:, None]      # [M, DH]
    # edge attention score (atten_e), LeakyReLU(0.2); dropout is eval-mode identity
    alpha = Y @ We                                     # [M]
    s = jax.nn.leaky_relu(alpha[e_idx], negative_slope=0.2)  # [P]
    # e2v softmax_then_sum: softmax over incident hyperedges per vertex
    smax = jax.ops.segment_max(s, v_idx, num_segments=N)
    smax = jnp.where(jnp.isfinite(smax), smax, 0.0)
    w = jnp.exp(s - smax[v_idx])
    wsum = jax.ops.segment_sum(w, v_idx, num_segments=N)
    w = w / (wsum[v_idx] + 1e-12)
    out = jax.ops.segment_sum(w[:, None] * Y[e_idx], v_idx, num_segments=N)  # [N, DH]
    # is_last=False -> ELU
    return jax.nn.elu(out)


def reference(X, theta_W, theta_b, atten_e_W, ln_g, ln_b, conv_W, conv_b, gamma, v_idx, e_idx):
    inp = X
    # drop_layer: eval-mode identity
    heads = [_unigat_head(X, theta_W[h], theta_b[h], atten_e_W[h], v_idx, e_idx) for h in range(H)]
    Xc = jnp.concatenate(heads, axis=-1)               # [N, D] (concat merge)
    # LayerNorm eps=1e-6
    mu = jnp.mean(Xc, axis=-1, keepdims=True)
    var = jnp.var(Xc, axis=-1, keepdims=True)
    Xn = (Xc - mu) / jnp.sqrt(var + 1e-06) * ln_g + ln_b
    # GELU (exact, torch default)
    Xa = jax.nn.gelu(Xn, approximate=False)
    # conv linear
    Xo = Xa @ conv_W + conv_b
    # layer scale
    Xo = gamma * Xo
    # drop_path = Identity; residual
    return inp + Xo

if __name__ == "__main__":
    import jax
    _d = setup_inputs()
    print(jax.jit(kernel)(*tuple(_d.values())))

</pallas_src>

<mosaic_0001>
#map = affine_map<(d0, d1) -> (0, 0)>
module attributes {stable_mosaic.version = 14 : i64} {
  func.func @run(%arg0: i32, %arg1: i32, %arg2: memref<5000x160xbf16, #tpu.memory_space<hbm>>, %arg3: memref<2560x125xi32, #tpu.memory_space<hbm>>, %arg4: memref<2560x125xi32, #tpu.memory_space<hbm>>, %arg5: memref<640x160xbf16, #tpu.memory_space<hbm>>, %arg6: memref<20000x160xbf16, #tpu.memory_space<hbm>>, %arg7: memref<80x125xi32, #tpu.memory_space<vmem>>, %arg8: memref<80x125xi32, #tpu.memory_space<vmem>>, %arg9: memref<125x160xbf16, #tpu.memory_space<vmem>>, %arg10: memref<125x160xbf16, #tpu.memory_space<vmem>>, %arg11: memref<10000x160xbf16, #tpu.memory_space<vmem_shared>>, %arg12: memref<!tpu.dma_semaphore, #tpu.memory_space<semaphore_mem>>, %arg13: memref<!tpu.dma_semaphore, #tpu.memory_space<semaphore_mem>>) attributes {dimension_semantics = [#tpu.dimension_semantics<core_parallel>, #tpu.dimension_semantics<subcore_parallel>], iteration_bounds = array<i64: 2, 16>, scalar_prefetch = 0 : i64, scratch_operands = 7 : i64, tpu.core_type = #tpu.core_type<sc_vector_subcore>, window_params = [{transform_indices = #map}, {transform_indices = #map}, {transform_indices = #map}, {transform_indices = #map}, {transform_indices = #map}]} {
    %mul3A = arith.constant 16 : i32
    %mul3A_0 = arith.muli %arg0, %mul3A : i32
    %add3A = arith.addi %mul3A_0, %arg1 : i32
    %mul3A_1 = arith.constant 80 : i32
    %mul3A_2 = arith.muli %add3A, %mul3A_1 : i32
    "tpu.region"() ({
      %run_scoped3A = tpu.sem_alloc : memref<!tpu.dma_semaphore, #tpu.memory_space<semaphore_mem>>
      %dma_start3A_21 = arith.constant 0 : i32
      %dma_start3A_22 = tpu.memref_slice %arg3[%mul3A_2, %dma_start3A_21] : memref<2560x125xi32, #tpu.memory_space<hbm>> -> memref<80x125xi32, #tpu.memory_space<hbm>>
      %dma_start3A_23 = arith.constant 0 : i32
      %dma_start3A_24 = tpu.memref_slice %arg3[%mul3A_2, %dma_start3A_23] : memref<2560x125xi32, #tpu.memory_space<hbm>> -> memref<80x125xi32, #tpu.memory_space<hbm>>
      tpu.enqueue_dma source(%dma_start3A_24 : memref<80x125xi32, #tpu.memory_space<hbm>>) target(%arg7 : memref<80x125xi32, #tpu.memory_space<vmem>>) target_semaphore(%run_scoped3A : memref<!tpu.dma_semaphore, #tpu.memory_space<semaphore_mem>>)
      %dma_wait3A = arith.constant 0 : i32
      %dma_wait3A_25 = tpu.memref_slice %arg3[%mul3A_2, %dma_wait3A] : memref<2560x125xi32, #tpu.memory_space<hbm>> -> memref<80x125xi32, #tpu.memory_space<hbm>>
      %dma_wait3A_26 = arith.constant 0 : i32
      %dma_wait3A_27 = tpu.memref_slice %arg3[%mul3A_2, %dma_wait3A_26] : memref<2560x125xi32, #tpu.memory_space<hbm>> -> memref<80x125xi32, #tpu.memory_space<hbm>>
      tpu.wait_dma2 semaphore(%run_scoped3A : memref<!tpu.dma_semaphore, #tpu.memory_space<semaphore_mem>>) src(%dma_wait3A_27 : memref<80x125xi32, #tpu.memory_space<hbm>>) dst(%arg7 : memref<80x125xi32, #tpu.memory_space<vmem>>)
      tpu.yield
    }) : () -> ()
    %mul3A_3 = arith.constant 80 : i32
    %mul3A_4 = arith.muli %add3A, %mul3A_3 : i32
    "tpu.region"() ({
      %run_scoped3A = tpu.sem_alloc : memref<!tpu.dma_semaphore, #tpu.memory_space<semaphore_mem>>
      %dma_start3A_21 = arith.constant 0 : i32
      %dma_start3A_22 = tpu.memref_slice %arg4[%mul3A_4, %dma_start3A_21] : memref<2560x125xi32, #tpu.memory_space<hbm>> -> memref<80x125xi32, #tpu.memory_space<hbm>>
      %dma_start3A_23 = arith.constant 0 : i32
      %dma_start3A_24 = tpu.memref_slice %arg4[%mul3A_4, %dma_start3A_23] : memref<2560x125xi32, #tpu.memory_space<hbm>> -> memref<80x125xi32, #tpu.memory_space<hbm>>
      tpu.enqueue_dma source(%dma_start3A_24 : memref<80x125xi32, #tpu.memory_space<hbm>>) target(%arg8 : memref<80x125xi32, #tpu.memory_space<vmem>>) target_semaphore(%run_scoped3A : memref<!tpu.dma_semaphore, #tpu.memory_space<semaphore_mem>>)
      %dma_wait3A = arith.constant 0 : i32
      %dma_wait3A_25 = tpu.memref_slice %arg4[%mul3A_4, %dma_wait3A] : memref<2560x125xi32, #tpu.memory_space<hbm>> -> memref<80x125xi32, #tpu.memory_space<hbm>>
      %dma_wait3A_26 = arith.constant 0 : i32
      %dma_wait3A_27 = tpu.memref_slice %arg4[%mul3A_4, %dma_wait3A_26] : memref<2560x125xi32, #tpu.memory_space<hbm>> -> memref<80x125xi32, #tpu.memory_space<hbm>>
      tpu.wait_dma2 semaphore(%run_scoped3A : memref<!tpu.dma_semaphore, #tpu.memory_space<semaphore_mem>>) src(%dma_wait3A_27 : memref<80x125xi32, #tpu.memory_space<hbm>>) dst(%arg8 : memref<80x125xi32, #tpu.memory_space<vmem>>)
      tpu.yield
    }) : () -> ()
    %mul3A_5 = arith.constant 625 : i32
    %mul3A_6 = arith.muli %arg1, %mul3A_5 : i32
    "tpu.region"() ({
      %run_scoped3A = tpu.sem_alloc : memref<!tpu.dma_semaphore, #tpu.memory_space<semaphore_mem>>
      %dma_start3A_21 = arith.constant 0 : i32
      %dma_start3A_22 = tpu.memref_slice %arg11[%mul3A_6, %dma_start3A_21] : memref<10000x160xbf16, #tpu.memory_space<vmem_shared>> -> memref<625x160xbf16, #tpu.memory_space<vmem_shared>>
      %dma_start3A_23 = arith.constant 0 : i32
      %dma_start3A_24 = arith.constant 0 : i32
      %dma_start3A_25 = tpu.memref_slice %arg5[%dma_start3A_23, %dma_start3A_24] : memref<640x160xbf16, #tpu.memory_space<hbm>> -> memref<625x160xbf16, #tpu.memory_space<hbm>>
      tpu.enqueue_dma source(%dma_start3A_25 : memref<625x160xbf16, #tpu.memory_space<hbm>>) target(%dma_start3A_22 : memref<625x160xbf16, #tpu.memory_space<vmem_shared>>) target_semaphore(%run_scoped3A : memref<!tpu.dma_semaphore, #tpu.memory_space<semaphore_mem>>)
      %dma_wait3A = arith.constant 0 : i32
      %dma_wait3A_26 = tpu.memref_slice %arg11[%mul3A_6, %dma_wait3A] : memref<10000x160xbf16, #tpu.memory_space<vmem_shared>> -> memref<625x160xbf16, #tpu.memory_space<vmem_shared>>
      %dma_wait3A_27 = arith.constant 0 : i32
      %dma_wait3A_28 = arith.constant 0 : i32
      %dma_wait3A_29 = tpu.memref_slice %arg5[%dma_wait3A_27, %dma_wait3A_28] : memref<640x160xbf16, #tpu.memory_space<hbm>> -> memref<625x160xbf16, #tpu.memory_space<hbm>>
      tpu.wait_dma2 semaphore(%run_scoped3A : memref<!tpu.dma_semaphore, #tpu.memory_space<semaphore_mem>>) src(%dma_wait3A_29 : memref<625x160xbf16, #tpu.memory_space<hbm>>) dst(%dma_wait3A_26 : memref<625x160xbf16, #tpu.memory_space<vmem_shared>>)
      tpu.yield
    }) : () -> ()
    %barrier3A = arith.constant 0 : index
    tpu.barrier barrier_id(%barrier3A)
    %dma_start3A = arith.constant 0 : i32
    %dma_start3A_7 = arith.constant 0 : i32
    %dma_start3A_8 = tpu.memref_slice %arg7[%dma_start3A, %dma_start3A_7] : memref<80x125xi32, #tpu.memory_space<vmem>> -> memref<1x125xi32, #tpu.memory_space<vmem>>
    %dma_start3A_9 = tpu.memref_squeeze %dma_start3A_8 : memref<1x125xi32, #tpu.memory_space<vmem>> -> memref<125xi32, #tpu.memory_space<vmem>>
    %dma_start3A_10 = arith.constant 0 : i32
    %dma_start3A_11 = arith.constant 0 : i32
    %dma_start3A_12 = tpu.memref_slice %arg2[%dma_start3A_10, %dma_start3A_11] : memref<5000x160xbf16, #tpu.memory_space<hbm>> -> memref<5000x160xbf16, #tpu.memory_space<hbm>>
    tpu.enqueue_indirect_dma source(%dma_start3A_12 : memref<5000x160xbf16, #tpu.memory_space<hbm>>) target(%arg9 : memref<125x160xbf16, #tpu.memory_space<vmem>>) offsets(%dma_start3A_9 : memref<125xi32, #tpu.memory_space<vmem>>) semaphore(%arg12 : memref<!tpu.dma_semaphore, #tpu.memory_space<semaphore_mem>>)
    %scan3A = arith.constant 0 : i32
    %scan3A_13 = arith.constant 0 : i32
    %scan3A_14 = arith.constant 40 : i32
    %scan3A_15 = arith.addi %scan3A_13, %scan3A_14 : i32
    %scan3A_16 = arith.constant 1 : i32
    scf.for %scan3A_21 = %scan3A_13 to %scan3A_15 step %scan3A_16  : i32 {
      %mul3A_22 = arith.constant 2 : i32
      %mul3A_23 = arith.muli %mul3A_22, %scan3A_21 : i32
      %add3A_24 = arith.constant 1 : i32
      %add3A_25 = arith.addi %mul3A_23, %add3A_24 : i32
      %dma_start3A_26 = arith.constant 0 : i32
      %dma_start3A_27 = tpu.memref_slice %arg7[%add3A_25, %dma_start3A_26] : memref<80x125xi32, #tpu.memory_space<vmem>> -> memref<1x125xi32, #tpu.memory_space<vmem>>
      %dma_start3A_28 = tpu.memref_squeeze %dma_start3A_27 : memref<1x125xi32, #tpu.memory_space<vmem>> -> memref<125xi32, #tpu.memory_space<vmem>>
      %dma_start3A_29 = arith.constant 0 : i32
      %dma_start3A_30 = arith.constant 0 : i32
      %dma_start3A_31 = tpu.memref_slice %arg2[%dma_start3A_29, %dma_start3A_30] : memref<5000x160xbf16, #tpu.memory_space<hbm>> -> memref<5000x160xbf16, #tpu.memory_space<hbm>>
      tpu.enqueue_indirect_dma source(%dma_start3A_31 : memref<5000x160xbf16, #tpu.memory_space<hbm>>) target(%arg10 : memref<125x160xbf16, #tpu.memory_space<vmem>>) offsets(%dma_start3A_28 : memref<125xi32, #tpu.memory_space<vmem>>) semaphore(%arg13 : memref<!tpu.dma_semaphore, #tpu.memory_space<semaphore_mem>>)
      %dma_wait3A = arith.constant 0 : i32
      %dma_wait3A_32 = arith.constant 0 : i32
      %dma_wait3A_33 = tpu.memref_slice %arg5[%dma_wait3A, %dma_wait3A_32] : memref<640x160xbf16, #tpu.memory_space<hbm>> -> memref<125x160xbf16, #tpu.memory_space<hbm>>
      %dma_wait3A_34 = arith.constant 0 : i32
      %dma_wait3A_35 = arith.constant 0 : i32
      %dma_wait3A_36 = tpu.memref_slice %arg5[%dma_wait3A_34, %dma_wait3A_35] : memref<640x160xbf16, #tpu.memory_space<hbm>> -> memref<125x160xbf16, #tpu.memory_space<hbm>>
      tpu.wait_dma2 semaphore(%arg12 : memref<!tpu.dma_semaphore, #tpu.memory_space<semaphore_mem>>) src(%dma_wait3A_36 : memref<125x160xbf16, #tpu.memory_space<hbm>>) dst(%arg9 : memref<125x160xbf16, #tpu.memory_space<vmem>>)
      "tpu.region"() ({
        %run_scoped3A = tpu.sem_alloc : memref<!tpu.dma_semaphore, #tpu.memory_space<semaphore_mem>>
        %dma_start3A_52 = arith.constant 0 : i32
        %dma_start3A_53 = tpu.memref_slice %arg8[%mul3A_23, %dma_start3A_52] : memref<80x125xi32, #tpu.memory_space<vmem>> -> memref<1x125xi32, #tpu.memory_space<vmem>>
        %dma_start3A_54 = tpu.memref_squeeze %dma_start3A_53 : memref<1x125xi32, #tpu.memory_space<vmem>> -> memref<125xi32, #tpu.memory_space<vmem>>
        %dma_start3A_55 = arith.constant 0 : i32
        %dma_start3A_56 = arith.constant 0 : i32
        %dma_start3A_57 = tpu.memref_slice %arg11[%dma_start3A_55, %dma_start3A_56] : memref<10000x160xbf16, #tpu.memory_space<vmem_shared>> -> memref<10000x160xbf16, #tpu.memory_space<vmem_shared>>
        tpu.enqueue_indirect_dma source(%arg9 : memref<125x160xbf16, #tpu.memory_space<vmem>>) target(%dma_start3A_57 : memref<10000x160xbf16, #tpu.memory_space<vmem_shared>>) offsets(%dma_start3A_54 : memref<125xi32, #tpu.memory_space<vmem>>) semaphore(%run_scoped3A : memref<!tpu.dma_semaphore, #tpu.memory_space<semaphore_mem>>) {add = true}
        %dma_wait3A_58 = arith.constant 0 : i32
        %dma_wait3A_59 = tpu.memref_slice %arg8[%mul3A_23, %dma_wait3A_58] : memref<80x125xi32, #tpu.memory_space<vmem>> -> memref<1x125xi32, #tpu.memory_space<vmem>>
        %dma_wait3A_60 = tpu.memref_squeeze %dma_wait3A_59 : memref<1x125xi32, #tpu.memory_space<vmem>> -> memref<125xi32, #tpu.memory_space<vmem>>
        %dma_wait3A_61 = arith.constant 0 : i32
        %dma_wait3A_62 = arith.constant 0 : i32
        %dma_wait3A_63 = tpu.memref_slice %arg11[%dma_wait3A_61, %dma_wait3A_62] : memref<10000x160xbf16, #tpu.memory_space<vmem_shared>> -> memref<10000x160xbf16, #tpu.memory_space<vmem_shared>>
        tpu.wait_indirect_dma semaphore(%run_scoped3A : memref<!tpu.dma_semaphore, #tpu.memory_space<semaphore_mem>>) src(%arg9 : memref<125x160xbf16, #tpu.memory_space<vmem>>) dst(%dma_wait3A_63 : memref<10000x160xbf16, #tpu.memory_space<vmem_shared>>)
        tpu.yield
      }) : () -> ()
      %add3A_37 = arith.constant 1 : i32
      %add3A_38 = arith.addi %scan3A_21, %add3A_37 : i32
      %lt3A_39 = arith.constant 40 : i32
      %lt3A_40 = arith.cmpi slt, %add3A_38, %lt3A_39 : i32
      %convert_element_type3A_41 = arith.extui %lt3A_40 : i1 to i32
      %cond3A_42 = arith.constant 0 : i32
      %cond3A_43 = arith.cmpi ne, %convert_element_type3A_41, %cond3A_42 : i32
      scf.if %cond3A_43 {
        %add3A_52 = arith.constant 2 : i32
        %add3A_53 = arith.addi %mul3A_23, %add3A_52 : i32
        %dma_start3A_54 = arith.constant 0 : i32
        %dma_start3A_55 = tpu.memref_slice %arg7[%add3A_53, %dma_start3A_54] : memref<80x125xi32, #tpu.memory_space<vmem>> -> memref<1x125xi32, #tpu.memory_space<vmem>>
        %dma_start3A_56 = tpu.memref_squeeze %dma_start3A_55 : memref<1x125xi32, #tpu.memory_space<vmem>> -> memref<125xi32, #tpu.memory_space<vmem>>
        %dma_start3A_57 = arith.constant 0 : i32
        %dma_start3A_58 = arith.constant 0 : i32
        %dma_start3A_59 = tpu.memref_slice %arg2[%dma_start3A_57, %dma_start3A_58] : memref<5000x160xbf16, #tpu.memory_space<hbm>> -> memref<5000x160xbf16, #tpu.memory_space<hbm>>
        tpu.enqueue_indirect_dma source(%dma_start3A_59 : memref<5000x160xbf16, #tpu.memory_space<hbm>>) target(%arg9 : memref<125x160xbf16, #tpu.memory_space<vmem>>) offsets(%dma_start3A_56 : memref<125xi32, #tpu.memory_space<vmem>>) semaphore(%arg12 : memref<!tpu.dma_semaphore, #tpu.memory_space<semaphore_mem>>)
      } else {
      }
      %dma_wait3A_44 = arith.constant 0 : i32
      %dma_wait3A_45 = arith.constant 0 : i32
      %dma_wait3A_46 = tpu.memref_slice %arg5[%dma_wait3A_44, %dma_wait3A_45] : memref<640x160xbf16, #tpu.memory_space<hbm>> -> memref<125x160xbf16, #tpu.memory_space<hbm>>
      %dma_wait3A_47 = arith.constant 0 : i32
      %dma_wait3A_48 = arith.constant 0 : i32
      %dma_wait3A_49 = tpu.memref_slice %arg5[%dma_wait3A_47, %dma_wait3A_48] : memref<640x160xbf16, #tpu.memory_space<hbm>> -> memref<125x160xbf16, #tpu.memory_space<hbm>>
      tpu.wait_dma2 semaphore(%arg13 : memref<!tpu.dma_semaphore, #tpu.memory_space<semaphore_mem>>) src(%dma_wait3A_49 : memref<125x160xbf16, #tpu.memory_space<hbm>>) dst(%arg10 : memref<125x160xbf16, #tpu.memory_space<vmem>>)
      %add3A_50 = arith.constant 1 : i32
      %add3A_51 = arith.addi %mul3A_23, %add3A_50 : i32
      "tpu.region"() ({
        %run_scoped3A = tpu.sem_alloc : memref<!tpu.dma_semaphore, #tpu.memory_space<semaphore_mem>>
        %dma_start3A_52 = arith.constant 0 : i32
        %dma_start3A_53 = tpu.memref_slice %arg8[%add3A_51, %dma_start3A_52] : memref<80x125xi32, #tpu.memory_space<vmem>> -> memref<1x125xi32, #tpu.memory_space<vmem>>
        %dma_start3A_54 = tpu.memref_squeeze %dma_start3A_53 : memref<1x125xi32, #tpu.memory_space<vmem>> -> memref<125xi32, #tpu.memory_space<vmem>>
        %dma_start3A_55 = arith.constant 0 : i32
        %dma_start3A_56 = arith.constant 0 : i32
        %dma_start3A_57 = tpu.memref_slice %arg11[%dma_start3A_55, %dma_start3A_56] : memref<10000x160xbf16, #tpu.memory_space<vmem_shared>> -> memref<10000x160xbf16, #tpu.memory_space<vmem_shared>>
        tpu.enqueue_indirect_dma source(%arg10 : memref<125x160xbf16, #tpu.memory_space<vmem>>) target(%dma_start3A_57 : memref<10000x160xbf16, #tpu.memory_space<vmem_shared>>) offsets(%dma_start3A_54 : memref<125xi32, #tpu.memory_space<vmem>>) semaphore(%run_scoped3A : memref<!tpu.dma_semaphore, #tpu.memory_space<semaphore_mem>>) {add = true}
        %dma_wait3A_58 = arith.constant 0 : i32
        %dma_wait3A_59 = tpu.memref_slice %arg8[%add3A_51, %dma_wait3A_58] : memref<80x125xi32, #tpu.memory_space<vmem>> -> memref<1x125xi32, #tpu.memory_space<vmem>>
        %dma_wait3A_60 = tpu.memref_squeeze %dma_wait3A_59 : memref<1x125xi32, #tpu.memory_space<vmem>> -> memref<125xi32, #tpu.memory_space<vmem>>
        %dma_wait3A_61 = arith.constant 0 : i32
        %dma_wait3A_62 = arith.constant 0 : i32
        %dma_wait3A_63 = tpu.memref_slice %arg11[%dma_wait3A_61, %dma_wait3A_62] : memref<10000x160xbf16, #tpu.memory_space<vmem_shared>> -> memref<10000x160xbf16, #tpu.memory_space<vmem_shared>>
        tpu.wait_indirect_dma semaphore(%run_scoped3A : memref<!tpu.dma_semaphore, #tpu.memory_space<semaphore_mem>>) src(%arg10 : memref<125x160xbf16, #tpu.memory_space<vmem>>) dst(%dma_wait3A_63 : memref<10000x160xbf16, #tpu.memory_space<vmem_shared>>)
        tpu.yield
      }) : () -> ()
    }
    %scan3A_17 = arith.constant 40 : i32
    %barrier3A_18 = arith.constant 0 : index
    tpu.barrier barrier_id(%barrier3A_18)
    %lt3A = arith.constant 16 : i32
    %lt3A_19 = arith.cmpi slt, %arg1, %lt3A : i32
    %convert_element_type3A = arith.extui %lt3A_19 : i1 to i32
    %cond3A = arith.constant 0 : i32
    %cond3A_20 = arith.cmpi ne, %convert_element_type3A, %cond3A : i32
    scf.if %cond3A_20 {
      %mul3A_21 = arith.constant 625 : i32
      %mul3A_22 = arith.muli %arg1, %mul3A_21 : i32
      %mul3A_23 = arith.constant 10000 : i32
      %mul3A_24 = arith.muli %arg0, %mul3A_23 : i32
      %mul3A_25 = arith.constant 625 : i32
      %mul3A_26 = arith.muli %arg1, %mul3A_25 : i32
      %add3A_27 = arith.addi %mul3A_24, %mul3A_26 : i32
      "tpu.region"() ({
        %run_scoped3A = tpu.sem_alloc : memref<!tpu.dma_semaphore, #tpu.memory_space<semaphore_mem>>
        %dma_start3A_28 = arith.constant 0 : i32
        %dma_start3A_29 = tpu.memref_slice %arg6[%add3A_27, %dma_start3A_28] : memref<20000x160xbf16, #tpu.memory_space<hbm>> -> memref<625x160xbf16, #tpu.memory_space<hbm>>
        %dma_start3A_30 = arith.constant 0 : i32
        %dma_start3A_31 = tpu.memref_slice %arg11[%mul3A_22, %dma_start3A_30] : memref<10000x160xbf16, #tpu.memory_space<vmem_shared>> -> memref<625x160xbf16, #tpu.memory_space<vmem_shared>>
        tpu.enqueue_dma source(%dma_start3A_31 : memref<625x160xbf16, #tpu.memory_space<vmem_shared>>) target(%dma_start3A_29 : memref<625x160xbf16, #tpu.memory_space<hbm>>) target_semaphore(%run_scoped3A : memref<!tpu.dma_semaphore, #tpu.memory_space<semaphore_mem>>)
        %dma_wait3A = arith.constant 0 : i32
        %dma_wait3A_32 = tpu.memref_slice %arg6[%add3A_27, %dma_wait3A] : memref<20000x160xbf16, #tpu.memory_space<hbm>> -> memref<625x160xbf16, #tpu.memory_space<hbm>>
        %dma_wait3A_33 = arith.constant 0 : i32
        %dma_wait3A_34 = tpu.memref_slice %arg11[%mul3A_22, %dma_wait3A_33] : memref<10000x160xbf16, #tpu.memory_space<vmem_shared>> -> memref<625x160xbf16, #tpu.memory_space<vmem_shared>>
        tpu.wait_dma2 semaphore(%run_scoped3A : memref<!tpu.dma_semaphore, #tpu.memory_space<semaphore_mem>>) src(%dma_wait3A_34 : memref<625x160xbf16, #tpu.memory_space<vmem_shared>>) dst(%dma_wait3A_32 : memref<625x160xbf16, #tpu.memory_space<hbm>>)
        tpu.yield
      }) : () -> ()
    } else {
    }
    return
  }
}

#map = affine_map<(d0, d1) -> (0, 0)>
module attributes {stable_mosaic.version = 14 : i64} {
  func.func @run(%arg0: i32, %arg1: i32, %arg2: memref<10000x160xbf16, #tpu.memory_space<hbm>>, %arg3: memref<2560x125xi32, #tpu.memory_space<hbm>>, %arg4: memref<2560x125xi32, #tpu.memory_space<hbm>>, %arg5: memref<640x160xbf16, #tpu.memory_space<hbm>>, %arg6: memref<10000x160xbf16, #tpu.memory_space<hbm>>, %arg7: memref<80x125xi32, #tpu.memory_space<vmem>>, %arg8: memref<80x125xi32, #tpu.memory_space<vmem>>, %arg9: memref<125x160xbf16, #tpu.memory_space<vmem>>, %arg10: memref<125x160xbf16, #tpu.memory_space<vmem>>, %arg11: memref<5120x160xbf16, #tpu.memory_space<vmem_shared>>, %arg12: memref<!tpu.dma_semaphore, #tpu.memory_space<semaphore_mem>>, %arg13: memref<!tpu.dma_semaphore, #tpu.memory_space<semaphore_mem>>) attributes {dimension_semantics = [#tpu.dimension_semantics<core_parallel>, #tpu.dimension_semantics<subcore_parallel>], iteration_bounds = array<i64: 2, 16>, scalar_prefetch = 0 : i64, scratch_operands = 7 : i64, tpu.core_type = #tpu.core_type<sc_vector_subcore>, window_params = [{transform_indices = #map}, {transform_indices = #map}, {transform_indices = #map}, {transform_indices = #map}, {transform_indices = #map}]} {
    %mul3A = arith.constant 16 : i32
    %mul3A_0 = arith.muli %arg0, %mul3A : i32
    %add3A = arith.addi %mul3A_0, %arg1 : i32
    %mul3A_1 = arith.constant 80 : i32
    %mul3A_2 = arith.muli %add3A, %mul3A_1 : i32
    "tpu.region"() ({
      %run_scoped3A = tpu.sem_alloc : memref<!tpu.dma_semaphore, #tpu.memory_space<semaphore_mem>>
      %dma_start3A_21 = arith.constant 0 : i32
      %dma_start3A_22 = tpu.memref_slice %arg3[%mul3A_2, %dma_start3A_21] : memref<2560x125xi32, #tpu.memory_space<hbm>> -> memref<80x125xi32, #tpu.memory_space<hbm>>
      %dma_start3A_23 = arith.constant 0 : i32
      %dma_start3A_24 = tpu.memref_slice %arg3[%mul3A_2, %dma_start3A_23] : memref<2560x125xi32, #tpu.memory_space<hbm>> -> memref<80x125xi32, #tpu.memory_space<hbm>>
      tpu.enqueue_dma source(%dma_start3A_24 : memref<80x125xi32, #tpu.memory_space<hbm>>) target(%arg7 : memref<80x125xi32, #tpu.memory_space<vmem>>) target_semaphore(%run_scoped3A : memref<!tpu.dma_semaphore, #tpu.memory_space<semaphore_mem>>)
      %dma_wait3A = arith.constant 0 : i32
      %dma_wait3A_25 = tpu.memref_slice %arg3[%mul3A_2, %dma_wait3A] : memref<2560x125xi32, #tpu.memory_space<hbm>> -> memref<80x125xi32, #tpu.memory_space<hbm>>
      %dma_wait3A_26 = arith.constant 0 : i32
      %dma_wait3A_27 = tpu.memref_slice %arg3[%mul3A_2, %dma_wait3A_26] : memref<2560x125xi32, #tpu.memory_space<hbm>> -> memref<80x125xi32, #tpu.memory_space<hbm>>
      tpu.wait_dma2 semaphore(%run_scoped3A : memref<!tpu.dma_semaphore, #tpu.memory_space<semaphore_mem>>) src(%dma_wait3A_27 : memref<80x125xi32, #tpu.memory_space<hbm>>) dst(%arg7 : memref<80x125xi32, #tpu.memory_space<vmem>>)
      tpu.yield
    }) : () -> ()
    %mul3A_3 = arith.constant 80 : i32
    %mul3A_4 = arith.muli %add3A, %mul3A_3 : i32
    "tpu.region"() ({
      %run_scoped3A = tpu.sem_alloc : memref<!tpu.dma_semaphore, #tpu.memory_space<semaphore_mem>>
      %dma_start3A_21 = arith.constant 0 : i32
      %dma_start3A_22 = tpu.memref_slice %arg4[%mul3A_4, %dma_start3A_21] : memref<2560x125xi32, #tpu.memory_space<hbm>> -> memref<80x125xi32, #tpu.memory_space<hbm>>
      %dma_start3A_23 = arith.constant 0 : i32
      %dma_start3A_24 = tpu.memref_slice %arg4[%mul3A_4, %dma_start3A_23] : memref<2560x125xi32, #tpu.memory_space<hbm>> -> memref<80x125xi32, #tpu.memory_space<hbm>>
      tpu.enqueue_dma source(%dma_start3A_24 : memref<80x125xi32, #tpu.memory_space<hbm>>) target(%arg8 : memref<80x125xi32, #tpu.memory_space<vmem>>) target_semaphore(%run_scoped3A : memref<!tpu.dma_semaphore, #tpu.memory_space<semaphore_mem>>)
      %dma_wait3A = arith.constant 0 : i32
      %dma_wait3A_25 = tpu.memref_slice %arg4[%mul3A_4, %dma_wait3A] : memref<2560x125xi32, #tpu.memory_space<hbm>> -> memref<80x125xi32, #tpu.memory_space<hbm>>
      %dma_wait3A_26 = arith.constant 0 : i32
      %dma_wait3A_27 = tpu.memref_slice %arg4[%mul3A_4, %dma_wait3A_26] : memref<2560x125xi32, #tpu.memory_space<hbm>> -> memref<80x125xi32, #tpu.memory_space<hbm>>
      tpu.wait_dma2 semaphore(%run_scoped3A : memref<!tpu.dma_semaphore, #tpu.memory_space<semaphore_mem>>) src(%dma_wait3A_27 : memref<80x125xi32, #tpu.memory_space<hbm>>) dst(%arg8 : memref<80x125xi32, #tpu.memory_space<vmem>>)
      tpu.yield
    }) : () -> ()
    %mul3A_5 = arith.constant 320 : i32
    %mul3A_6 = arith.muli %arg1, %mul3A_5 : i32
    "tpu.region"() ({
      %run_scoped3A = tpu.sem_alloc : memref<!tpu.dma_semaphore, #tpu.memory_space<semaphore_mem>>
      %dma_start3A_21 = arith.constant 0 : i32
      %dma_start3A_22 = tpu.memref_slice %arg11[%mul3A_6, %dma_start3A_21] : memref<5120x160xbf16, #tpu.memory_space<vmem_shared>> -> memref<320x160xbf16, #tpu.memory_space<vmem_shared>>
      %dma_start3A_23 = arith.constant 0 : i32
      %dma_start3A_24 = arith.constant 0 : i32
      %dma_start3A_25 = tpu.memref_slice %arg5[%dma_start3A_23, %dma_start3A_24] : memref<640x160xbf16, #tpu.memory_space<hbm>> -> memref<320x160xbf16, #tpu.memory_space<hbm>>
      tpu.enqueue_dma source(%dma_start3A_25 : memref<320x160xbf16, #tpu.memory_space<hbm>>) target(%dma_start3A_22 : memref<320x160xbf16, #tpu.memory_space<vmem_shared>>) target_semaphore(%run_scoped3A : memref<!tpu.dma_semaphore, #tpu.memory_space<semaphore_mem>>)
      %dma_wait3A = arith.constant 0 : i32
      %dma_wait3A_26 = tpu.memref_slice %arg11[%mul3A_6, %dma_wait3A] : memref<5120x160xbf16, #tpu.memory_space<vmem_shared>> -> memref<320x160xbf16, #tpu.memory_space<vmem_shared>>
      %dma_wait3A_27 = arith.constant 0 : i32
      %dma_wait3A_28 = arith.constant 0 : i32
      %dma_wait3A_29 = tpu.memref_slice %arg5[%dma_wait3A_27, %dma_wait3A_28] : memref<640x160xbf16, #tpu.memory_space<hbm>> -> memref<320x160xbf16, #tpu.memory_space<hbm>>
      tpu.wait_dma2 semaphore(%run_scoped3A : memref<!tpu.dma_semaphore, #tpu.memory_space<semaphore_mem>>) src(%dma_wait3A_29 : memref<320x160xbf16, #tpu.memory_space<hbm>>) dst(%dma_wait3A_26 : memref<320x160xbf16, #tpu.memory_space<vmem_shared>>)
      tpu.yield
    }) : () -> ()
    %barrier3A = arith.constant 0 : index
    tpu.barrier barrier_id(%barrier3A)
    %dma_start3A = arith.constant 0 : i32
    %dma_start3A_7 = arith.constant 0 : i32
    %dma_start3A_8 = tpu.memref_slice %arg7[%dma_start3A, %dma_start3A_7] : memref<80x125xi32, #tpu.memory_space<vmem>> -> memref<1x125xi32, #tpu.memory_space<vmem>>
    %dma_start3A_9 = tpu.memref_squeeze %dma_start3A_8 : memref<1x125xi32, #tpu.memory_space<vmem>> -> memref<125xi32, #tpu.memory_space<vmem>>
    %dma_start3A_10 = arith.constant 0 : i32
    %dma_start3A_11 = arith.constant 0 : i32
    %dma_start3A_12 = tpu.memref_slice %arg2[%dma_start3A_10, %dma_start3A_11] : memref<10000x160xbf16, #tpu.memory_space<hbm>> -> memref<10000x160xbf16, #tpu.memory_space<hbm>>
    tpu.enqueue_indirect_dma source(%dma_start3A_12 : memref<10000x160xbf16, #tpu.memory_space<hbm>>) target(%arg9 : memref<125x160xbf16, #tpu.memory_space<vmem>>) offsets(%dma_start3A_9 : memref<125xi32, #tpu.memory_space<vmem>>) semaphore(%arg12 : memref<!tpu.dma_semaphore, #tpu.memory_space<semaphore_mem>>)
    %scan3A = arith.constant 0 : i32
    %scan3A_13 = arith.constant 0 : i32
    %scan3A_14 = arith.constant 40 : i32
    %scan3A_15 = arith.addi %scan3A_13, %scan3A_14 : i32
    %scan3A_16 = arith.constant 1 : i32
    scf.for %scan3A_21 = %scan3A_13 to %scan3A_15 step %scan3A_16  : i32 {
      %mul3A_22 = arith.constant 2 : i32
      %mul3A_23 = arith.muli %mul3A_22, %scan3A_21 : i32
      %add3A_24 = arith.constant 1 : i32
      %add3A_25 = arith.addi %mul3A_23, %add3A_24 : i32
      %dma_start3A_26 = arith.constant 0 : i32
      %dma_start3A_27 = tpu.memref_slice %arg7[%add3A_25, %dma_start3A_26] : memref<80x125xi32, #tpu.memory_space<vmem>> -> memref<1x125xi32, #tpu.memory_space<vmem>>
      %dma_start3A_28 = tpu.memref_squeeze %dma_start3A_27 : memref<1x125xi32, #tpu.memory_space<vmem>> -> memref<125xi32, #tpu.memory_space<vmem>>
      %dma_start3A_29 = arith.constant 0 : i32
      %dma_start3A_30 = arith.constant 0 : i32
      %dma_start3A_31 = tpu.memref_slice %arg2[%dma_start3A_29, %dma_start3A_30] : memref<10000x160xbf16, #tpu.memory_space<hbm>> -> memref<10000x160xbf16, #tpu.memory_space<hbm>>
      tpu.enqueue_indirect_dma source(%dma_start3A_31 : memref<10000x160xbf16, #tpu.memory_space<hbm>>) target(%arg10 : memref<125x160xbf16, #tpu.memory_space<vmem>>) offsets(%dma_start3A_28 : memref<125xi32, #tpu.memory_space<vmem>>) semaphore(%arg13 : memref<!tpu.dma_semaphore, #tpu.memory_space<semaphore_mem>>)
      %dma_wait3A = arith.constant 0 : i32
      %dma_wait3A_32 = arith.constant 0 : i32
      %dma_wait3A_33 = tpu.memref_slice %arg5[%dma_wait3A, %dma_wait3A_32] : memref<640x160xbf16, #tpu.memory_space<hbm>> -> memref<125x160xbf16, #tpu.memory_space<hbm>>
      %dma_wait3A_34 = arith.constant 0 : i32
      %dma_wait3A_35 = arith.constant 0 : i32
      %dma_wait3A_36 = tpu.memref_slice %arg5[%dma_wait3A_34, %dma_wait3A_35] : memref<640x160xbf16, #tpu.memory_space<hbm>> -> memref<125x160xbf16, #tpu.memory_space<hbm>>
      tpu.wait_dma2 semaphore(%arg12 : memref<!tpu.dma_semaphore, #tpu.memory_space<semaphore_mem>>) src(%dma_wait3A_36 : memref<125x160xbf16, #tpu.memory_space<hbm>>) dst(%arg9 : memref<125x160xbf16, #tpu.memory_space<vmem>>)
      "tpu.region"() ({
        %run_scoped3A = tpu.sem_alloc : memref<!tpu.dma_semaphore, #tpu.memory_space<semaphore_mem>>
        %dma_start3A_52 = arith.constant 0 : i32
        %dma_start3A_53 = tpu.memref_slice %arg8[%mul3A_23, %dma_start3A_52] : memref<80x125xi32, #tpu.memory_space<vmem>> -> memref<1x125xi32, #tpu.memory_space<vmem>>
        %dma_start3A_54 = tpu.memref_squeeze %dma_start3A_53 : memref<1x125xi32, #tpu.memory_space<vmem>> -> memref<125xi32, #tpu.memory_space<vmem>>
        %dma_start3A_55 = arith.constant 0 : i32
        %dma_start3A_56 = arith.constant 0 : i32
        %dma_start3A_57 = tpu.memref_slice %arg11[%dma_start3A_55, %dma_start3A_56] : memref<5120x160xbf16, #tpu.memory_space<vmem_shared>> -> memref<5120x160xbf16, #tpu.memory_space<vmem_shared>>
        tpu.enqueue_indirect_dma source(%arg9 : memref<125x160xbf16, #tpu.memory_space<vmem>>) target(%dma_start3A_57 : memref<5120x160xbf16, #tpu.memory_space<vmem_shared>>) offsets(%dma_start3A_54 : memref<125xi32, #tpu.memory_space<vmem>>) semaphore(%run_scoped3A : memref<!tpu.dma_semaphore, #tpu.memory_space<semaphore_mem>>) {add = true}
        %dma_wait3A_58 = arith.constant 0 : i32
        %dma_wait3A_59 = tpu.memref_slice %arg8[%mul3A_23, %dma_wait3A_58] : memref<80x125xi32, #tpu.memory_space<vmem>> -> memref<1x125xi32, #tpu.memory_space<vmem>>
        %dma_wait3A_60 = tpu.memref_squeeze %dma_wait3A_59 : memref<1x125xi32, #tpu.memory_space<vmem>> -> memref<125xi32, #tpu.memory_space<vmem>>
        %dma_wait3A_61 = arith.constant 0 : i32
        %dma_wait3A_62 = arith.constant 0 : i32
        %dma_wait3A_63 = tpu.memref_slice %arg11[%dma_wait3A_61, %dma_wait3A_62] : memref<5120x160xbf16, #tpu.memory_space<vmem_shared>> -> memref<5120x160xbf16, #tpu.memory_space<vmem_shared>>
        tpu.wait_indirect_dma semaphore(%run_scoped3A : memref<!tpu.dma_semaphore, #tpu.memory_space<semaphore_mem>>) src(%arg9 : memref<125x160xbf16, #tpu.memory_space<vmem>>) dst(%dma_wait3A_63 : memref<5120x160xbf16, #tpu.memory_space<vmem_shared>>)
        tpu.yield
      }) : () -> ()
      %add3A_37 = arith.constant 1 : i32
      %add3A_38 = arith.addi %scan3A_21, %add3A_37 : i32
      %lt3A_39 = arith.constant 40 : i32
      %lt3A_40 = arith.cmpi slt, %add3A_38, %lt3A_39 : i32
      %convert_element_type3A_41 = arith.extui %lt3A_40 : i1 to i32
      %cond3A_42 = arith.constant 0 : i32
      %cond3A_43 = arith.cmpi ne, %convert_element_type3A_41, %cond3A_42 : i32
      scf.if %cond3A_43 {
        %add3A_52 = arith.constant 2 : i32
        %add3A_53 = arith.addi %mul3A_23, %add3A_52 : i32
        %dma_start3A_54 = arith.constant 0 : i32
        %dma_start3A_55 = tpu.memref_slice %arg7[%add3A_53, %dma_start3A_54] : memref<80x125xi32, #tpu.memory_space<vmem>> -> memref<1x125xi32, #tpu.memory_space<vmem>>
        %dma_start3A_56 = tpu.memref_squeeze %dma_start3A_55 : memref<1x125xi32, #tpu.memory_space<vmem>> -> memref<125xi32, #tpu.memory_space<vmem>>
        %dma_start3A_57 = arith.constant 0 : i32
        %dma_start3A_58 = arith.constant 0 : i32
        %dma_start3A_59 = tpu.memref_slice %arg2[%dma_start3A_57, %dma_start3A_58] : memref<10000x160xbf16, #tpu.memory_space<hbm>> -> memref<10000x160xbf16, #tpu.memory_space<hbm>>
        tpu.enqueue_indirect_dma source(%dma_start3A_59 : memref<10000x160xbf16, #tpu.memory_space<hbm>>) target(%arg9 : memref<125x160xbf16, #tpu.memory_space<vmem>>) offsets(%dma_start3A_56 : memref<125xi32, #tpu.memory_space<vmem>>) semaphore(%arg12 : memref<!tpu.dma_semaphore, #tpu.memory_space<semaphore_mem>>)
      } else {
      }
      %dma_wait3A_44 = arith.constant 0 : i32
      %dma_wait3A_45 = arith.constant 0 : i32
      %dma_wait3A_46 = tpu.memref_slice %arg5[%dma_wait3A_44, %dma_wait3A_45] : memref<640x160xbf16, #tpu.memory_space<hbm>> -> memref<125x160xbf16, #tpu.memory_space<hbm>>
      %dma_wait3A_47 = arith.constant 0 : i32
      %dma_wait3A_48 = arith.constant 0 : i32
      %dma_wait3A_49 = tpu.memref_slice %arg5[%dma_wait3A_47, %dma_wait3A_48] : memref<640x160xbf16, #tpu.memory_space<hbm>> -> memref<125x160xbf16, #tpu.memory_space<hbm>>
      tpu.wait_dma2 semaphore(%arg13 : memref<!tpu.dma_semaphore, #tpu.memory_space<semaphore_mem>>) src(%dma_wait3A_49 : memref<125x160xbf16, #tpu.memory_space<hbm>>) dst(%arg10 : memref<125x160xbf16, #tpu.memory_space<vmem>>)
      %add3A_50 = arith.constant 1 : i32
      %add3A_51 = arith.addi %mul3A_23, %add3A_50 : i32
      "tpu.region"() ({
        %run_scoped3A = tpu.sem_alloc : memref<!tpu.dma_semaphore, #tpu.memory_space<semaphore_mem>>
        %dma_start3A_52 = arith.constant 0 : i32
        %dma_start3A_53 = tpu.memref_slice %arg8[%add3A_51, %dma_start3A_52] : memref<80x125xi32, #tpu.memory_space<vmem>> -> memref<1x125xi32, #tpu.memory_space<vmem>>
        %dma_start3A_54 = tpu.memref_squeeze %dma_start3A_53 : memref<1x125xi32, #tpu.memory_space<vmem>> -> memref<125xi32, #tpu.memory_space<vmem>>
        %dma_start3A_55 = arith.constant 0 : i32
        %dma_start3A_56 = arith.constant 0 : i32
        %dma_start3A_57 = tpu.memref_slice %arg11[%dma_start3A_55, %dma_start3A_56] : memref<5120x160xbf16, #tpu.memory_space<vmem_shared>> -> memref<5120x160xbf16, #tpu.memory_space<vmem_shared>>
        tpu.enqueue_indirect_dma source(%arg10 : memref<125x160xbf16, #tpu.memory_space<vmem>>) target(%dma_start3A_57 : memref<5120x160xbf16, #tpu.memory_space<vmem_shared>>) offsets(%dma_start3A_54 : memref<125xi32, #tpu.memory_space<vmem>>) semaphore(%run_scoped3A : memref<!tpu.dma_semaphore, #tpu.memory_space<semaphore_mem>>) {add = true}
        %dma_wait3A_58 = arith.constant 0 : i32
        %dma_wait3A_59 = tpu.memref_slice %arg8[%add3A_51, %dma_wait3A_58] : memref<80x125xi32, #tpu.memory_space<vmem>> -> memref<1x125xi32, #tpu.memory_space<vmem>>
        %dma_wait3A_60 = tpu.memref_squeeze %dma_wait3A_59 : memref<1x125xi32, #tpu.memory_space<vmem>> -> memref<125xi32, #tpu.memory_space<vmem>>
        %dma_wait3A_61 = arith.constant 0 : i32
        %dma_wait3A_62 = arith.constant 0 : i32
        %dma_wait3A_63 = tpu.memref_slice %arg11[%dma_wait3A_61, %dma_wait3A_62] : memref<5120x160xbf16, #tpu.memory_space<vmem_shared>> -> memref<5120x160xbf16, #tpu.memory_space<vmem_shared>>
        tpu.wait_indirect_dma semaphore(%run_scoped3A : memref<!tpu.dma_semaphore, #tpu.memory_space<semaphore_mem>>) src(%arg10 : memref<125x160xbf16, #tpu.memory_space<vmem>>) dst(%dma_wait3A_63 : memref<5120x160xbf16, #tpu.memory_space<vmem_shared>>)
        tpu.yield
      }) : () -> ()
    }
    %scan3A_17 = arith.constant 40 : i32
    %barrier3A_18 = arith.constant 0 : index
    tpu.barrier barrier_id(%barrier3A_18)
    %lt3A = arith.constant 8 : i32
    %lt3A_19 = arith.cmpi slt, %arg1, %lt3A : i32
    %convert_element_type3A = arith.extui %lt3A_19 : i1 to i32
    %cond3A = arith.constant 0 : i32
    %cond3A_20 = arith.cmpi ne, %convert_element_type3A, %cond3A : i32
    scf.if %cond3A_20 {
      %mul3A_21 = arith.constant 625 : i32
      %mul3A_22 = arith.muli %arg1, %mul3A_21 : i32
      %mul3A_23 = arith.constant 5000 : i32
      %mul3A_24 = arith.muli %arg0, %mul3A_23 : i32
      %mul3A_25 = arith.constant 625 : i32
      %mul3A_26 = arith.muli %arg1, %mul3A_25 : i32
      %add3A_27 = arith.addi %mul3A_24, %mul3A_26 : i32
      "tpu.region"() ({
        %run_scoped3A = tpu.sem_alloc : memref<!tpu.dma_semaphore, #tpu.memory_space<semaphore_mem>>
        %dma_start3A_28 = arith.constant 0 : i32
        %dma_start3A_29 = tpu.memref_slice %arg6[%add3A_27, %dma_start3A_28] : memref<10000x160xbf16, #tpu.memory_space<hbm>> -> memref<625x160xbf16, #tpu.memory_space<hbm>>
        %dma_start3A_30 = arith.constant 0 : i32
        %dma_start3A_31 = tpu.memref_slice %arg11[%mul3A_22, %dma_start3A_30] : memref<5120x160xbf16, #tpu.memory_space<vmem_shared>> -> memref<625x160xbf16, #tpu.memory_space<vmem_shared>>
        tpu.enqueue_dma source(%dma_start3A_31 : memref<625x160xbf16, #tpu.memory_space<vmem_shared>>) target(%dma_start3A_29 : memref<625x160xbf16, #tpu.memory_space<hbm>>) target_semaphore(%run_scoped3A : memref<!tpu.dma_semaphore, #tpu.memory_space<semaphore_mem>>)
        %dma_wait3A = arith.constant 0 : i32
        %dma_wait3A_32 = tpu.memref_slice %arg6[%add3A_27, %dma_wait3A] : memref<10000x160xbf16, #tpu.memory_space<hbm>> -> memref<625x160xbf16, #tpu.memory_space<hbm>>
        %dma_wait3A_33 = arith.constant 0 : i32
        %dma_wait3A_34 = tpu.memref_slice %arg11[%mul3A_22, %dma_wait3A_33] : memref<5120x160xbf16, #tpu.memory_space<vmem_shared>> -> memref<625x160xbf16, #tpu.memory_space<vmem_shared>>
        tpu.wait_dma2 semaphore(%run_scoped3A : memref<!tpu.dma_semaphore, #tpu.memory_space<semaphore_mem>>) src(%dma_wait3A_34 : memref<625x160xbf16, #tpu.memory_space<vmem_shared>>) dst(%dma_wait3A_32 : memref<625x160xbf16, #tpu.memory_space<hbm>>)
        tpu.yield
      }) : () -> ()
    } else {
    }
    return
  }
}

module attributes {stable_mosaic.version = 14 : i64} {
  func.func @_proj_body(%arg0: i32, %arg1: memref<1000x128xf32, #tpu.memory_space<vmem>>, %arg2: memref<128x128xf32, #tpu.memory_space<vmem>>, %arg3: memref<1x128xf32, #tpu.memory_space<vmem>>, %arg4: memref<128x16xf32, #tpu.memory_space<vmem>>, %arg5: memref<1x16xf32, #tpu.memory_space<vmem>>, %arg6: memref<1000x160xbf16, #tpu.memory_space<vmem>>) attributes {dimension_semantics = [#tpu.dimension_semantics<arbitrary>], iteration_bounds = array<i64: 10>, scalar_prefetch = 0 : i64, scratch_operands = 0 : i64, tpu.core_type = #tpu.core_type<tc>, window_params = [{transform_indices = @transform_0, window_bounds = array<i64: 1000, 128>}, {pipeline_mode = #tpu.pipeline_mode<synchronous>, transform_indices = @transform_1, window_bounds = array<i64: 128, 128>}, {pipeline_mode = #tpu.pipeline_mode<synchronous>, transform_indices = @transform_2, window_bounds = array<i64: 1, 128>}, {pipeline_mode = #tpu.pipeline_mode<synchronous>, transform_indices = @transform_3, window_bounds = array<i64: 128, 16>}, {pipeline_mode = #tpu.pipeline_mode<synchronous>, transform_indices = @transform_4, window_bounds = array<i64: 1, 16>}, {transform_indices = @transform_5, window_bounds = array<i64: 1000, 160>}]} {
    %get3A = arith.constant 0 : index
    %get3A_0 = arith.constant 0 : index
    %get3A_1 = vector.load %arg1[%get3A, %get3A_0] : memref<1000x128xf32, #tpu.memory_space<vmem>>, vector<1000x128xf32>
    %get3A_2 = arith.constant 0 : index
    %get3A_3 = arith.constant 0 : index
    %get3A_4 = vector.load %arg2[%get3A_2, %get3A_3] : memref<128x128xf32, #tpu.memory_space<vmem>>, vector<128x128xf32>
    %dot_general3A = arith.constant dense<0.000000e+00> : vector<1000x128xf32>
    %dot_general3A_5 = tpu.matmul %get3A_1, %get3A_4, %dot_general3A {dimension_numbers = #tpu.dot_dimension_numbers<[1], [0], [0], [1], [0, 0, 1, 1], [], []>, transpose_lhs_hint = false} : vector<1000x128xf32>, vector<128x128xf32>, vector<1000x128xf32> -> vector<1000x128xf32>
    %get3A_6 = arith.constant 0 : index
    %get3A_7 = arith.constant 0 : index
    %get3A_8 = vector.load %arg3[%get3A_6, %get3A_7] : memref<1x128xf32, #tpu.memory_space<vmem>>, vector<1x128xf32>
    %add3A = vector.broadcast %get3A_8 : vector<1x128xf32> to vector<1000x128xf32>
    %add3A_9 = arith.addf %dot_general3A_5, %add3A : vector<1000x128xf32>
    %get3A_10 = arith.constant 0 : index
    %get3A_11 = arith.constant 0 : index
    %get3A_12 = vector.load %arg4[%get3A_10, %get3A_11] : memref<128x16xf32, #tpu.memory_space<vmem>>, vector<128x16xf32>
    %dot_general3A_13 = arith.constant dense<0.000000e+00> : vector<1000x16xf32>
    %dot_general3A_14 = tpu.matmul %add3A_9, %get3A_12, %dot_general3A_13 {dimension_numbers = #tpu.dot_dimension_numbers<[1], [0], [0], [1], [0, 0, 1, 1], [], []>, transpose_lhs_hint = false} : vector<1000x128xf32>, vector<128x16xf32>, vector<1000x16xf32> -> vector<1000x16xf32>
    %get3A_15 = arith.constant 0 : index
    %get3A_16 = arith.constant 0 : index
    %get3A_17 = vector.load %arg5[%get3A_15, %get3A_16] : memref<1x16xf32, #tpu.memory_space<vmem>>, vector<1x16xf32>
    %add3A_18 = vector.broadcast %get3A_17 : vector<1x16xf32> to vector<1000x16xf32>
    %add3A_19 = arith.addf %dot_general3A_14, %add3A_18 : vector<1000x16xf32>
    %broadcast_in_dim3A = arith.constant 0.000000e+00 : f32
    %broadcast_in_dim3A_20 = vector.broadcast %broadcast_in_dim3A : f32 to vector<1000x16xf32>
    %concatenate3A = tpu.concatenate %add3A_9, %add3A_19, %broadcast_in_dim3A_20 in 1 : vector<1000x128xf32>, vector<1000x16xf32>, vector<1000x16xf32> -> vector<1000x160xf32>
    %convert_element_type3A = arith.truncf %concatenate3A : vector<1000x160xf32> to vector<1000x160xbf16>
    %swap3A = arith.constant 0 : index
    %swap3A_21 = arith.constant 0 : index
    %swap3A_22 = vector.load %arg6[%swap3A, %swap3A_21] : memref<1000x160xbf16, #tpu.memory_space<vmem>>, vector<1000x160xbf16>
    tpu.vector_store %arg6[%swap3A, %swap3A_21], %convert_element_type3A {strides = array<i32>} : memref<1000x160xbf16, #tpu.memory_space<vmem>>, vector<1000x160xbf16>,
    return
  }
  func.func @transform_0(%arg0: i32) -> (i32, i32) {
    %c0_i32 = arith.constant 0 : i32
    %c0_i32_0 = arith.constant 0 : i32
    return %arg0, %c0_i32 : i32, i32
  }
  func.func @transform_1(%arg0: i32) -> (i32, i32) {
    %c0_i32 = arith.constant 0 : i32
    %c0_i32_0 = arith.constant 0 : i32
    %c0_i32_1 = arith.constant 0 : i32
    return %c0_i32, %c0_i32_0 : i32, i32
  }
  func.func @transform_2(%arg0: i32) -> (i32, i32) {
    %c0_i32 = arith.constant 0 : i32
    %c0_i32_0 = arith.constant 0 : i32
    %c0_i32_1 = arith.constant 0 : i32
    return %c0_i32, %c0_i32_0 : i32, i32
  }
  func.func @transform_3(%arg0: i32) -> (i32, i32) {
    %c0_i32 = arith.constant 0 : i32
    %c0_i32_0 = arith.constant 0 : i32
    %c0_i32_1 = arith.constant 0 : i32
    return %c0_i32, %c0_i32_0 : i32, i32
  }
  func.func @transform_4(%arg0: i32) -> (i32, i32) {
    %c0_i32 = arith.constant 0 : i32
    %c0_i32_0 = arith.constant 0 : i32
    %c0_i32_1 = arith.constant 0 : i32
    return %c0_i32, %c0_i32_0 : i32, i32
  }
  func.func @transform_5(%arg0: i32) -> (i32, i32) {
    %c0_i32 = arith.constant 0 : i32
    %c0_i32_0 = arith.constant 0 : i32
    return %arg0, %c0_i32 : i32, i32
  }
}

module attributes {stable_mosaic.version = 14 : i64} {
  func.func @_edge_body(%arg0: i32, %arg1: memref<1x1000x160xbf16, #tpu.memory_space<vmem>>, %arg2: memref<1x1000x160xbf16, #tpu.memory_space<vmem>>, %arg3: memref<16x128xf32, #tpu.memory_space<vmem>>, %arg4: memref<1x16xf32, #tpu.memory_space<vmem>>, %arg5: memref<1000x160xbf16, #tpu.memory_space<vmem>>) attributes {dimension_semantics = [#tpu.dimension_semantics<arbitrary>], iteration_bounds = array<i64: 5>, scalar_prefetch = 0 : i64, scratch_operands = 0 : i64, tpu.core_type = #tpu.core_type<tc>, window_params = [{transform_indices = @transform_0, window_bounds = array<i64: 1, 1000, 160>}, {transform_indices = @transform_1, window_bounds = array<i64: 1, 1000, 160>}, {pipeline_mode = #tpu.pipeline_mode<synchronous>, transform_indices = @transform_2, window_bounds = array<i64: 16, 128>}, {pipeline_mode = #tpu.pipeline_mode<synchronous>, transform_indices = @transform_3, window_bounds = array<i64: 1, 16>}, {transform_indices = @transform_4, window_bounds = array<i64: 1000, 160>}]} {
    %get3A = arith.constant 0 : index
    %get3A_0 = arith.constant 0 : index
    %get3A_1 = arith.constant 0 : index
    %get3A_2 = vector.load %arg1[%get3A, %get3A_0, %get3A_1] : memref<1x1000x160xbf16, #tpu.memory_space<vmem>>, vector<1x1000x160xbf16>
    %get3A_3 = vector.shape_cast %get3A_2 : vector<1x1000x160xbf16> to vector<1000x160xbf16>
    %convert_element_type3A = arith.extf %get3A_3 : vector<1000x160xbf16> to vector<1000x160xf32>
    %get3A_4 = arith.constant 0 : index
    %get3A_5 = arith.constant 0 : index
    %get3A_6 = arith.constant 0 : index
    %get3A_7 = vector.load %arg2[%get3A_4, %get3A_5, %get3A_6] : memref<1x1000x160xbf16, #tpu.memory_space<vmem>>, vector<1x1000x160xbf16>
    %get3A_8 = vector.shape_cast %get3A_7 : vector<1x1000x160xbf16> to vector<1000x160xbf16>
    %convert_element_type3A_9 = arith.extf %get3A_8 : vector<1000x160xbf16> to vector<1000x160xf32>
    %slice3A = vector.extract_strided_slice %convert_element_type3A {offsets = [0, 0], sizes = [1000, 128], strides = [1, 1]} : vector<1000x160xf32> to vector<1000x128xf32>
    %slice3A_10 = vector.extract_strided_slice %convert_element_type3A_9 {offsets = [0, 0], sizes = [1000, 128], strides = [1, 1]} : vector<1000x160xf32> to vector<1000x128xf32>
    %add3A = arith.addf %slice3A, %slice3A_10 : vector<1000x128xf32>
    %slice3A_11 = vector.extract_strided_slice %convert_element_type3A {offsets = [0, 128], sizes = [1000, 16], strides = [1, 1]} : vector<1000x160xf32> to vector<1000x16xf32>
    %slice3A_12 = vector.extract_strided_slice %convert_element_type3A_9 {offsets = [0, 128], sizes = [1000, 16], strides = [1, 1]} : vector<1000x160xf32> to vector<1000x16xf32>
    %add3A_13 = arith.addf %slice3A_11, %slice3A_12 : vector<1000x16xf32>
    %slice3A_14 = vector.extract_strided_slice %add3A_13 {offsets = [0, 4], sizes = [1000, 1], strides = [1, 1]} : vector<1000x16xf32> to vector<1000x1xf32>
    %max3A = arith.constant 1.000000e+00 : f32
    %max3A_15 = vector.broadcast %max3A : f32 to vector<1000x1xf32>
    %max3A_16 = arith.maximumf %slice3A_14, %max3A_15 : vector<1000x1xf32>
    %div3A = arith.constant 1.000000e+00 : f32
    %div3A_17 = vector.broadcast %div3A : f32 to vector<1000x1xf32>
    %div3A_18 = arith.divf %div3A_17, %max3A_16 : vector<1000x1xf32>
    %get3A_19 = arith.constant 0 : index
    %get3A_20 = arith.constant 0 : index
    %get3A_21 = vector.load %arg3[%get3A_19, %get3A_20] : memref<16x128xf32, #tpu.memory_space<vmem>>, vector<16x128xf32>
    %dot_general3A = arith.constant dense<0.000000e+00> : vector<1000x128xf32>
    %dot_general3A_22 = tpu.matmul %add3A_13, %get3A_21, %dot_general3A {dimension_numbers = #tpu.dot_dimension_numbers<[1], [0], [0], [1], [0, 0, 1, 1], [], []>, transpose_lhs_hint = false} : vector<1000x16xf32>, vector<16x128xf32>, vector<1000x128xf32> -> vector<1000x128xf32>
    %mul3A = vector.broadcast %div3A_18 : vector<1000x1xf32> to vector<1000x128xf32>
    %mul3A_23 = arith.mulf %dot_general3A_22, %mul3A : vector<1000x128xf32>
    %ge3A = arith.constant 0.000000e+00 : f32
    %ge3A_24 = vector.broadcast %ge3A : f32 to vector<1000x128xf32>
    %ge3A_25 = arith.cmpf oge, %mul3A_23, %ge3A_24 : vector<1000x128xf32>
    %mul3A_26 = arith.constant 2.000000e-01 : f32
    %mul3A_27 = vector.broadcast %mul3A_26 : f32 to vector<1000x128xf32>
    %mul3A_28 = arith.mulf %mul3A_27, %mul3A_23 : vector<1000x128xf32>
    %select_n3A = arith.select %ge3A_25, %mul3A_23, %mul3A_28 : vector<1000x128xi1>, vector<1000x128xf32>
    %exp3A = math.exp %select_n3A : vector<1000x128xf32>
    %mul3A_29 = vector.broadcast %div3A_18 : vector<1000x1xf32> to vector<1000x128xf32>
    %mul3A_30 = arith.mulf %add3A, %mul3A_29 : vector<1000x128xf32>
    %mul3A_31 = arith.mulf %exp3A, %mul3A_30 : vector<1000x128xf32>
    %mul3A_32 = vector.broadcast %div3A_18 : vector<1000x1xf32> to vector<1000x16xf32>
    %mul3A_33 = arith.mulf %add3A_13, %mul3A_32 : vector<1000x16xf32>
    %ge3A_34 = arith.constant 0.000000e+00 : f32
    %ge3A_35 = vector.broadcast %ge3A_34 : f32 to vector<1000x16xf32>
    %ge3A_36 = arith.cmpf oge, %mul3A_33, %ge3A_35 : vector<1000x16xf32>
    %mul3A_37 = arith.constant 2.000000e-01 : f32
    %mul3A_38 = vector.broadcast %mul3A_37 : f32 to vector<1000x16xf32>
    %mul3A_39 = arith.mulf %mul3A_38, %mul3A_33 : vector<1000x16xf32>
    %select_n3A_40 = arith.select %ge3A_36, %mul3A_33, %mul3A_39 : vector<1000x16xi1>, vector<1000x16xf32>
    %exp3A_41 = math.exp %select_n3A_40 : vector<1000x16xf32>
    %get3A_42 = arith.constant 0 : index
    %get3A_43 = arith.constant 0 : index
    %get3A_44 = vector.load %arg4[%get3A_42, %get3A_43] : memref<1x16xf32, #tpu.memory_space<vmem>>, vector<1x16xf32>
    %mul3A_45 = vector.broadcast %get3A_44 : vector<1x16xf32> to vector<1000x16xf32>
    %mul3A_46 = arith.mulf %exp3A_41, %mul3A_45 : vector<1000x16xf32>
    %broadcast_in_dim3A = arith.constant 0.000000e+00 : f32
    %broadcast_in_dim3A_47 = vector.broadcast %broadcast_in_dim3A : f32 to vector<1000x16xf32>
    %concatenate3A = tpu.concatenate %mul3A_31, %mul3A_46, %broadcast_in_dim3A_47 in 1 : vector<1000x128xf32>, vector<1000x16xf32>, vector<1000x16xf32> -> vector<1000x160xf32>
    %convert_element_type3A_48 = arith.truncf %concatenate3A : vector<1000x160xf32> to vector<1000x160xbf16>
    %swap3A = arith.constant 0 : index
    %swap3A_49 = arith.constant 0 : index
    %swap3A_50 = vector.load %arg5[%swap3A, %swap3A_49] : memref<1000x160xbf16, #tpu.memory_space<vmem>>, vector<1000x160xbf16>
    tpu.vector_store %arg5[%swap3A, %swap3A_49], %convert_element_type3A_48 {strides = array<i32>} : memref<1000x160xbf16, #tpu.memory_space<vmem>>, vector<1000x160xbf16>,
    return
  }
  func.func @transform_0(%arg0: i32) -> (i32, i32, i32) {
    %c0_i32 = arith.constant 0 : i32
    %c0_i32_0 = arith.constant 0 : i32
    %c0_i32_1 = arith.constant 0 : i32
    return %c0_i32, %arg0, %c0_i32_0 : i32, i32, i32
  }
  func.func @transform_1(%arg0: i32) -> (i32, i32, i32) {
    %c1_i32 = arith.constant 1 : i32
    %c0_i32 = arith.constant 0 : i32
    %c0_i32_0 = arith.constant 0 : i32
    return %c1_i32, %arg0, %c0_i32 : i32, i32, i32
  }
  func.func @transform_2(%arg0: i32) -> (i32, i32) {
    %c0_i32 = arith.constant 0 : i32
    %c0_i32_0 = arith.constant 0 : i32
    %c0_i32_1 = arith.constant 0 : i32
    return %c0_i32, %c0_i32_0 : i32, i32
  }
  func.func @transform_3(%arg0: i32) -> (i32, i32) {
    %c0_i32 = arith.constant 0 : i32
    %c0_i32_0 = arith.constant 0 : i32
    %c0_i32_1 = arith.constant 0 : i32
    return %c0_i32, %c0_i32_0 : i32, i32
  }
  func.func @transform_4(%arg0: i32) -> (i32, i32) {
    %c0_i32 = arith.constant 0 : i32
    %c0_i32_0 = arith.constant 0 : i32
    return %arg0, %c0_i32 : i32, i32
  }
}

module attributes {stable_mosaic.version = 14 : i64} {
  func.func @_final_body(%arg0: i32, %arg1: memref<1x1000x160xbf16, #tpu.memory_space<vmem>>, %arg2: memref<1x1000x160xbf16, #tpu.memory_space<vmem>>, %arg3: memref<1000x128xf32, #tpu.memory_space<vmem>>, %arg4: memref<16x128xf32, #tpu.memory_space<vmem>>, %arg5: memref<128x128xf32, #tpu.memory_space<vmem>>, %arg6: memref<1x128xf32, #tpu.memory_space<vmem>>, %arg7: memref<1x128xf32, #tpu.memory_space<vmem>>, %arg8: memref<1x128xf32, #tpu.memory_space<vmem>>, %arg9: memref<1x128xf32, #tpu.memory_space<vmem>>, %arg10: memref<1000x128xf32, #tpu.memory_space<vmem>>) attributes {dimension_semantics = [#tpu.dimension_semantics<arbitrary>], iteration_bounds = array<i64: 10>, scalar_prefetch = 0 : i64, scratch_operands = 0 : i64, tpu.core_type = #tpu.core_type<tc>, window_params = [{transform_indices = @transform_0, window_bounds = array<i64: 1, 1000, 160>}, {transform_indices = @transform_1, window_bounds = array<i64: 1, 1000, 160>}, {transform_indices = @transform_2, window_bounds = array<i64: 1000, 128>}, {pipeline_mode = #tpu.pipeline_mode<synchronous>, transform_indices = @transform_3, window_bounds = array<i64: 16, 128>}, {pipeline_mode = #tpu.pipeline_mode<synchronous>, transform_indices = @transform_4, window_bounds = array<i64: 128, 128>}, {pipeline_mode = #tpu.pipeline_mode<synchronous>, transform_indices = @transform_5, window_bounds = array<i64: 1, 128>}, {pipeline_mode = #tpu.pipeline_mode<synchronous>, transform_indices = @transform_6, window_bounds = array<i64: 1, 128>}, {pipeline_mode = #tpu.pipeline_mode<synchronous>, transform_indices = @transform_7, window_bounds = array<i64: 1, 128>}, {pipeline_mode = #tpu.pipeline_mode<synchronous>, transform_indices = @transform_8, window_bounds = array<i64: 1, 128>}, {transform_indices = @transform_9, window_bounds = array<i64: 1000, 128>}]} {
    %get3A = arith.constant 0 : index
    %get3A_0 = arith.constant 0 : index
    %get3A_1 = arith.constant 0 : index
    %get3A_2 = vector.load %arg1[%get3A, %get3A_0, %get3A_1] : memref<1x1000x160xbf16, #tpu.memory_space<vmem>>, vector<1x1000x160xbf16>
    %get3A_3 = vector.shape_cast %get3A_2 : vector<1x1000x160xbf16> to vector<1000x160xbf16>
    %convert_element_type3A = arith.extf %get3A_3 : vector<1000x160xbf16> to vector<1000x160xf32>
    %get3A_4 = arith.constant 0 : index
    %get3A_5 = arith.constant 0 : index
    %get3A_6 = arith.constant 0 : index
    %get3A_7 = vector.load %arg2[%get3A_4, %get3A_5, %get3A_6] : memref<1x1000x160xbf16, #tpu.memory_space<vmem>>, vector<1x1000x160xbf16>
    %get3A_8 = vector.shape_cast %get3A_7 : vector<1x1000x160xbf16> to vector<1000x160xbf16>
    %convert_element_type3A_9 = arith.extf %get3A_8 : vector<1000x160xbf16> to vector<1000x160xf32>
    %slice3A = vector.extract_strided_slice %convert_element_type3A {offsets = [0, 0], sizes = [1000, 128], strides = [1, 1]} : vector<1000x160xf32> to vector<1000x128xf32>
    %slice3A_10 = vector.extract_strided_slice %convert_element_type3A_9 {offsets = [0, 0], sizes = [1000, 128], strides = [1, 1]} : vector<1000x160xf32> to vector<1000x128xf32>
    %add3A = arith.addf %slice3A, %slice3A_10 : vector<1000x128xf32>
    %slice3A_11 = vector.extract_strided_slice %convert_element_type3A {offsets = [0, 128], sizes = [1000, 16], strides = [1, 1]} : vector<1000x160xf32> to vector<1000x16xf32>
    %slice3A_12 = vector.extract_strided_slice %convert_element_type3A_9 {offsets = [0, 128], sizes = [1000, 16], strides = [1, 1]} : vector<1000x160xf32> to vector<1000x16xf32>
    %add3A_13 = arith.addf %slice3A_11, %slice3A_12 : vector<1000x16xf32>
    %get3A_14 = arith.constant 0 : index
    %get3A_15 = arith.constant 0 : index
    %get3A_16 = vector.load %arg4[%get3A_14, %get3A_15] : memref<16x128xf32, #tpu.memory_space<vmem>>, vector<16x128xf32>
    %dot_general3A = arith.constant dense<0.000000e+00> : vector<1000x128xf32>
    %dot_general3A_17 = tpu.matmul %add3A_13, %get3A_16, %dot_general3A {dimension_numbers = #tpu.dot_dimension_numbers<[1], [0], [0], [1], [0, 0, 1, 1], [], []>, transpose_lhs_hint = false} : vector<1000x16xf32>, vector<16x128xf32>, vector<1000x128xf32> -> vector<1000x128xf32>
    %add3A_18 = arith.constant 9.99999996E-13 : f32
    %add3A_19 = vector.broadcast %add3A_18 : f32 to vector<1000x128xf32>
    %add3A_20 = arith.addf %dot_general3A_17, %add3A_19 : vector<1000x128xf32>
    %div3A = arith.divf %add3A, %add3A_20 : vector<1000x128xf32>
    %gt3A = arith.constant 0.000000e+00 : f32
    %gt3A_21 = vector.broadcast %gt3A : f32 to vector<1000x128xf32>
    %gt3A_22 = arith.cmpf ogt, %div3A, %gt3A_21 : vector<1000x128xf32>
    %min3A = arith.constant 0.000000e+00 : f32
    %min3A_23 = vector.broadcast %min3A : f32 to vector<1000x128xf32>
    %min3A_24 = arith.minimumf %div3A, %min3A_23 : vector<1000x128xf32>
    %exp3A = math.exp %min3A_24 : vector<1000x128xf32>
    %sub3A = arith.constant 1.000000e+00 : f32
    %sub3A_25 = vector.broadcast %sub3A : f32 to vector<1000x128xf32>
    %sub3A_26 = arith.subf %exp3A, %sub3A_25 : vector<1000x128xf32>
    %select_n3A = arith.select %gt3A_22, %div3A, %sub3A_26 : vector<1000x128xi1>, vector<1000x128xf32>
    %reduce_sum3A = arith.constant dense<0.000000e+00> : vector<1000xf32>
    %reduce_sum3A_27 = vector.multi_reduction <add>, %select_n3A, %reduce_sum3A [1] : vector<1000x128xf32> to vector<1000xf32>
    %broadcast_in_dim3A = vector.shape_cast %reduce_sum3A_27 : vector<1000xf32> to vector<1000x1xf32>
    %div3A_28 = arith.constant 1.280000e+02 : f32
    %div3A_29 = vector.broadcast %div3A_28 : f32 to vector<1000x1xf32>
    %div3A_30 = arith.divf %broadcast_in_dim3A, %div3A_29 : vector<1000x1xf32>
    %sub3A_31 = vector.broadcast %div3A_30 : vector<1000x1xf32> to vector<1000x128xf32>
    %sub3A_32 = arith.subf %select_n3A, %sub3A_31 : vector<1000x128xf32>
    %mul3A = arith.mulf %sub3A_32, %sub3A_32 : vector<1000x128xf32>
    %reduce_sum3A_33 = arith.constant dense<0.000000e+00> : vector<1000xf32>
    %reduce_sum3A_34 = vector.multi_reduction <add>, %mul3A, %reduce_sum3A_33 [1] : vector<1000x128xf32> to vector<1000xf32>
    %broadcast_in_dim3A_35 = vector.shape_cast %reduce_sum3A_34 : vector<1000xf32> to vector<1000x1xf32>
    %div3A_36 = arith.constant 1.280000e+02 : f32
    %div3A_37 = vector.broadcast %div3A_36 : f32 to vector<1000x1xf32>
    %div3A_38 = arith.divf %broadcast_in_dim3A_35, %div3A_37 : vector<1000x1xf32>
    %add3A_39 = arith.constant 9.99999997E-7 : f32
    %add3A_40 = vector.broadcast %add3A_39 : f32 to vector<1000x1xf32>
    %add3A_41 = arith.addf %div3A_38, %add3A_40 : vector<1000x1xf32>
    %rsqrt3A = math.rsqrt %add3A_41 : vector<1000x1xf32>
    %mul3A_42 = vector.broadcast %rsqrt3A : vector<1000x1xf32> to vector<1000x128xf32>
    %mul3A_43 = arith.mulf %sub3A_32, %mul3A_42 : vector<1000x128xf32>
    %get3A_44 = arith.constant 0 : index
    %get3A_45 = arith.constant 0 : index
    %get3A_46 = vector.load %arg7[%get3A_44, %get3A_45] : memref<1x128xf32, #tpu.memory_space<vmem>>, vector<1x128xf32>
    %mul3A_47 = vector.broadcast %get3A_46 : vector<1x128xf32> to vector<1000x128xf32>
    %mul3A_48 = arith.mulf %mul3A_43, %mul3A_47 : vector<1000x128xf32>
    %get3A_49 = arith.constant 0 : index
    %get3A_50 = arith.constant 0 : index
    %get3A_51 = vector.load %arg8[%get3A_49, %get3A_50] : memref<1x128xf32, #tpu.memory_space<vmem>>, vector<1x128xf32>
    %add3A_52 = vector.broadcast %get3A_51 : vector<1x128xf32> to vector<1000x128xf32>
    %add3A_53 = arith.addf %mul3A_48, %add3A_52 : vector<1000x128xf32>
    %mul3A_54 = arith.constant 5.000000e-01 : f32
    %mul3A_55 = vector.broadcast %mul3A_54 : f32 to vector<1000x128xf32>
    %mul3A_56 = arith.mulf %mul3A_55, %add3A_53 : vector<1000x128xf32>
    %mul3A_57 = arith.constant 0.707106769 : f32
    %mul3A_58 = vector.broadcast %mul3A_57 : f32 to vector<1000x128xf32>
    %mul3A_59 = arith.mulf %add3A_53, %mul3A_58 : vector<1000x128xf32>
    %erf3A = math.erf %mul3A_59 : vector<1000x128xf32>
    %add3A_60 = arith.constant 1.000000e+00 : f32
    %add3A_61 = vector.broadcast %add3A_60 : f32 to vector<1000x128xf32>
    %add3A_62 = arith.addf %add3A_61, %erf3A : vector<1000x128xf32>
    %mul3A_63 = arith.mulf %mul3A_56, %add3A_62 : vector<1000x128xf32>
    %get3A_64 = arith.constant 0 : index
    %get3A_65 = arith.constant 0 : index
    %get3A_66 = vector.load %arg5[%get3A_64, %get3A_65] : memref<128x128xf32, #tpu.memory_space<vmem>>, vector<128x128xf32>
    %dot_general3A_67 = arith.constant dense<0.000000e+00> : vector<1000x128xf32>
    %dot_general3A_68 = tpu.matmul %mul3A_63, %get3A_66, %dot_general3A_67 {dimension_numbers = #tpu.dot_dimension_numbers<[1], [0], [0], [1], [0, 0, 1, 1], [], []>, transpose_lhs_hint = false} : vector<1000x128xf32>, vector<128x128xf32>, vector<1000x128xf32> -> vector<1000x128xf32>
    %get3A_69 = arith.constant 0 : index
    %get3A_70 = arith.constant 0 : index
    %get3A_71 = vector.load %arg6[%get3A_69, %get3A_70] : memref<1x128xf32, #tpu.memory_space<vmem>>, vector<1x128xf32>
    %add3A_72 = vector.broadcast %get3A_71 : vector<1x128xf32> to vector<1000x128xf32>
    %add3A_73 = arith.addf %dot_general3A_68, %add3A_72 : vector<1000x128xf32>
    %get3A_74 = arith.constant 0 : index
    %get3A_75 = arith.constant 0 : index
    %get3A_76 = vector.load %arg3[%get3A_74, %get3A_75] : memref<1000x128xf32, #tpu.memory_space<vmem>>, vector<1000x128xf32>
    %get3A_77 = arith.constant 0 : index
    %get3A_78 = arith.constant 0 : index
    %get3A_79 = vector.load %arg9[%get3A_77, %get3A_78] : memref<1x128xf32, #tpu.memory_space<vmem>>, vector<1x128xf32>
    %mul3A_80 = vector.broadcast %get3A_79 : vector<1x128xf32> to vector<1000x128xf32>
    %mul3A_81 = arith.mulf %mul3A_80, %add3A_73 : vector<1000x128xf32>
    %add3A_82 = arith.addf %get3A_76, %mul3A_81 : vector<1000x128xf32>
    %swap3A = arith.constant 0 : index
    %swap3A_83 = arith.constant 0 : index
    %swap3A_84 = vector.load %arg10[%swap3A, %swap3A_83] : memref<1000x128xf32, #tpu.memory_space<vmem>>, vector<1000x128xf32>
    tpu.vector_store %arg10[%swap3A, %swap3A_83], %add3A_82 {strides = array<i32>} : memref<1000x128xf32, #tpu.memory_space<vmem>>, vector<1000x128xf32>,
    return
  }
  func.func @transform_0(%arg0: i32) -> (i32, i32, i32) {
    %c0_i32 = arith.constant 0 : i32
    %c0_i32_0 = arith.constant 0 : i32
    %c0_i32_1 = arith.constant 0 : i32
    return %c0_i32, %arg0, %c0_i32_0 : i32, i32, i32
  }
  func.func @transform_1(%arg0: i32) -> (i32, i32, i32) {
    %c1_i32 = arith.constant 1 : i32
    %c0_i32 = arith.constant 0 : i32
    %c0_i32_0 = arith.constant 0 : i32
    return %c1_i32, %arg0, %c0_i32 : i32, i32, i32
  }
  func.func @transform_2(%arg0: i32) -> (i32, i32) {
    %c0_i32 = arith.constant 0 : i32
    %c0_i32_0 = arith.constant 0 : i32
    return %arg0, %c0_i32 : i32, i32
  }
  func.func @transform_3(%arg0: i32) -> (i32, i32) {
    %c0_i32 = arith.constant 0 : i32
    %c0_i32_0 = arith.constant 0 : i32
    %c0_i32_1 = arith.constant 0 : i32
    return %c0_i32, %c0_i32_0 : i32, i32
  }
  func.func @transform_4(%arg0: i32) -> (i32, i32) {
    %c0_i32 = arith.constant 0 : i32
    %c0_i32_0 = arith.constant 0 : i32
    %c0_i32_1 = arith.constant 0 : i32
    return %c0_i32, %c0_i32_0 : i32, i32
  }
  func.func @transform_5(%arg0: i32) -> (i32, i32) {
    %c0_i32 = arith.constant 0 : i32
    %c0_i32_0 = arith.constant 0 : i32
    %c0_i32_1 = arith.constant 0 : i32
    return %c0_i32, %c0_i32_0 : i32, i32
  }
  func.func @transform_6(%arg0: i32) -> (i32, i32) {
    %c0_i32 = arith.constant 0 : i32
    %c0_i32_0 = arith.constant 0 : i32
    %c0_i32_1 = arith.constant 0 : i32
    return %c0_i32, %c0_i32_0 : i32, i32
  }
  func.func @transform_7(%arg0: i32) -> (i32, i32) {
    %c0_i32 = arith.constant 0 : i32
    %c0_i32_0 = arith.constant 0 : i32
    %c0_i32_1 = arith.constant 0 : i32
    return %c0_i32, %c0_i32_0 : i32, i32
  }
  func.func @transform_8(%arg0: i32) -> (i32, i32) {
    %c0_i32 = arith.constant 0 : i32
    %c0_i32_0 = arith.constant 0 : i32
    %c0_i32_1 = arith.constant 0 : i32
    return %c0_i32, %c0_i32_0 : i32, i32
  }
  func.func @transform_9(%arg0: i32) -> (i32, i32) {
    %c0_i32 = arith.constant 0 : i32
    %c0_i32_0 = arith.constant 0 : i32
    return %arg0, %c0_i32 : i32, i32
  }
}

</mosaic_0001>

<sc_bundles>
// kernel: kernel.10.cloned.1.call-start
scs
__scs_entry_jumppad:
0x0: {  	(pc) =	sbr.rel $0x88, $3  }
0x1: {  	(tag) =	ssettag $0x0;
	lr =	simm.s32 $0x1  }
0x2: {  	[smem:$0x3F96] =	sst lr;
	_ =	strace $0xD0000000  }
0x3: {  	_ = 	snop  }
0x4: {  	_ = 	snop  }
0x5: {  	_ = 	snop  }
0x6: {  	_ = 	snop  }
0x7: {  	_ = 	snop  }
__scs_overlays_trampoline_lowered:
0x8: {  	[smem:$0x3FA5] =	sst s0  }
0x9: {  	[smem:$0x3FA6] =	sst s1  }
0xa: {  	[smem:$0x3FA7] =	sst s2  }
0xb: {  	[smem:$0x3FA8] =	sst s3  }
0xc: {  	[smem:$0x3FA9] =	sst s4  }
0xd: {  	[smem:$0x3FAA] =	sst s5  }
0xe: {  	[smem:$0x3FAB] =	sst s6  }
0xf: {  	[smem:$0x3FAC] =	sst s7  }
0x10: {  	[smem:$0x3FAD] =	sst s8  }
0x11: {  	[smem:$0x3FAE] =	sst s9;
	s0 =	simm.s32 @!p0 $0x0  }
0x12: {  	s1 =	sld [smem:$0x3F94];
	s0 =	simm.s32 @p0 $0x1  }
0x13: {  	[smem:$0x3FAF] =	sst s0;
	s0 =	simm.s32 @!p1 $0x0  }
0x14: {  	s2 =	sld [smem:$0x3F93];
	s0 =	simm.s32 @p1 $0x1  }
0x15: {  	[smem:$0x3FB0] =	sst s0;
	s0 =	simm.s32 @!p2 $0x0  }
0x16: {  	s3 =	sld [smem:$0x3FDB];
	s0 =	simm.s32 @p2 $0x1  }
0x17: {  	s4 =	simm.s32 $0x1BF5;
	[smem:$0x3FB2] =	sst s0  }
0x18: {  	s0 =	sld [smem:$0x3F95];
	_ =	swait.ge [sflag:s4], $0x0  }
0x19: {  	s7 =	sld [smem:$0x3F96]  }
0x1a: {  	s8 =	sadd.s32 $0xFFFFE003, lr  }
0x1b: {  	s9 =	sadd.s32 $0xFFFFFEF7, lr;
	s5 =	simm.s32 $0xFFFFFFFF;
	p2 =	slt.u32 s8, $0xFFFFF086  }
0x1c: {  	p1 =	slt.u32 s9, $0xF7A;
	s5 =	simm.s32 @!p2 $0x0  }
0x1d: {  	s5 =	simm.s32 @p1 $0x1;
	p0 =	seq.s32 s7, s2  }
0x1e: {  	s7 =	smul.u32 @!p0 $0xF7A, s2;
	p2 =	seq.s32 @!p0 s5, $0x0  }
0x1f: {  	s9 =	smul.u32 $0xF7A, s1;
	s8 =	simm.s32 @!p0 $0x1BF5;
	p2 =	por !p2, p0  }
0x20: {  	[sflag:s8] =	ssyncset.s32 @!p0 $0xFFFFF086;
	s6 =	sadd.s32 @!p0 s3, s7;
	s7 =	simm.s32 @!p0 $0x108  }
0x21: {  	s3 =	sadd.s32 s3, s9;
	s6 =	sadd.s32 @!p0 $0x88, s6;
	s7 =	simm.s32 @p2 $0x1082  }
0x22: {  	[simem:s7], [sflag:s8] =	dma.local @!p0 [hbm:s6], $0xF7A  }
0x23: {  	s9 =	sor.u32 $0xD0000000, s2;
	s6 =	simm.s32 $0x108;
	_ =	swait.ge @!p0 [sflag:s8], $0x0  }
0x24: {  	s3 =	sadd.s32 $0x88, s3;
	s6 =	simm.s32 @!p1 $0x1082;
	[sflag:s4] =	ssyncset.s32 $0xFFFFF086  }
0x25: {  	[simem:s6], [sflag:s4] =	dma.local [hbm:s3], $0xF7A  }
0x26: {  	[smem:$0x3F96] =	sst s1;
	(tag) =	ssettag s2;
	_ =	strace s9  }
0x27: {  	s1 =	sld [smem:$0x3FA6]  }
0x28: {  	s2 =	sld [smem:$0x3FA7]  }
0x29: {  	s4 =	sld [smem:$0x3FA9]  }
0x2a: {  	p0 =	seq.s32 s5, $0x0;
	s5 =	sld [smem:$0x3FAA]  }
0x2b: {  	s6 =	sld [smem:$0x3FAB]  }
0x2c: {  	s7 =	sld [smem:$0x3FAC]  }
0x2d: {  	s3 =	simm.s32 $0x108;
	s8 =	sld [smem:$0x3FAD]  }
0x2e: {  	s3 =	simm.s32 @!p0 $0x1082;
	s9 =	sld [smem:$0x3FAE]  }
0x2f: {  	lr =	sadd.s32 s0, s3;
	s0 =	sld [smem:$0x3FA5]  }
0x30: {  	s3 =	sld [smem:$0x3FA8]  }
0x31: {  	[smem:$0x3FB1] =	sst s10  }
0x32: {  	s10 =	sld [smem:$0x3FAF];
	_ =	sdelay $0x3  }
0x33: {  	p0 =	seq.s32 s10, $0x1;
	s10 =	sld [smem:$0x3FB1];
	_ =	sdelay $0x3  }
0x34: {  	[smem:$0x3FB1] =	sst s10  }
0x35: {  	s10 =	sld [smem:$0x3FB0];
	_ =	sdelay $0x3  }
0x36: {  	p1 =	seq.s32 s10, $0x1;
	s10 =	sld [smem:$0x3FB1];
	_ =	sdelay $0x3  }
0x37: {  	[smem:$0x3FB1] =	sst s10  }
0x38: {  	s10 =	sld [smem:$0x3FB2]  }
0x39: {  	_ = 	snop;
	(pc) =	sbr.ind lr, $3  }
0x3a: {  	_ = 	snop  }
0x3b: {  	_ = 	snop  }
0x3c: {  	p2 =	seq.s32 s10, $0x1;
	s10 =	sld [smem:$0x3FB1]  }
0x3d: {  	_ =	shalt  }
0x3e: {  	_ =	shalt  }
0x3f: {  	_ =	shalt  }
0x40: {  	_ =	shalt  }
0x41: {  	_ =	shalt  }
0x42: {  	_ =	shalt  }
0x43: {  	_ =	shalt  }
0x44: {  	_ =	shalt  }
0x45: {  	_ =	shalt  }
0x46: {  	_ =	shalt  }
0x47: {  	_ =	shalt  }
0x48: {  	_ =	shalt  }
0x49: {  	_ =	shalt  }
0x4a: {  	_ =	shalt  }
0x4b: {  	_ =	shalt  }
0x4c: {  	_ =	shalt  }
0x4d: {  	_ =	shalt  }
0x4e: {  	_ =	shalt  }
0x4f: {  	_ =	shalt  }
0x50: {  	_ =	shalt  }
0x51: {  	_ =	shalt  }
0x52: {  	_ =	shalt  }
0x53: {  	_ =	shalt  }
0x54: {  	_ =	shalt  }
0x55: {  	_ =	shalt  }
0x56: {  	_ =	shalt  }
0x57: {  	_ =	shalt  }
0x58: {  	_ =	shalt  }
0x59: {  	_ =	shalt  }
0x5a: {  	_ =	shalt  }
0x5b: {  	_ =	shalt  }
0x5c: {  	_ =	shalt  }
0x5d: {  	_ =	shalt  }
0x5e: {  	_ =	shalt  }
0x5f: {  	_ =	shalt  }
0x60: {  	_ =	shalt  }
0x61: {  	_ =	shalt  }
0x62: {  	_ =	shalt  }
0x63: {  	_ =	shalt  }
0x64: {  	_ =	shalt  }
0x65: {  	_ =	shalt  }
0x66: {  	_ =	shalt  }
0x67: {  	_ =	shalt  }
0x68: {  	_ =	shalt  }
0x69: {  	_ =	shalt  }
0x6a: {  	_ =	shalt  }
0x6b: {  	_ =	shalt  }
0x6c: {  	_ =	shalt  }
0x6d: {  	_ =	shalt  }
0x6e: {  	_ =	shalt  }
0x6f: {  	_ =	shalt  }
0x70: {  	_ =	shalt  }
0x71: {  	_ =	shalt  }
0x72: {  	_ =	shalt  }
0x73: {  	_ =	shalt  }
0x74: {  	_ =	shalt  }
0x75: {  	_ =	shalt  }
0x76: {  	_ =	shalt  }
0x77: {  	_ =	shalt  }
0x78: {  	_ =	shalt  }
0x79: {  	_ =	shalt  }
0x7a: {  	_ =	shalt  }
0x7b: {  	_ =	shalt  }
0x7c: {  	_ =	shalt  }
0x7d: {  	_ =	shalt  }
0x7e: {  	_ =	shalt  }
0x7f: {  	_ =	shalt  }
0x80: {  	_ =	shalt  }
0x81: {  	_ =	shalt  }
0x82: {  	_ =	shalt  }
0x83: {  	_ =	shalt  }
0x84: {  	_ =	shalt  }
0x85: {  	_ =	shalt  }
0x86: {  	_ =	shalt  }
0x87: {  	_ =	shalt  }
.Lfunc_end0:
.L_simem_size_0:
called_computation.1_lowered:
.L_overlay_start_0:
0x88: {  	s2 =	sld [smem:$0x3FD9]  }
0x89: {  	s3 =	sld [smem:$0x3FFE];
	_ =	sdelay $0x1  }
0x8a: {  	s1 =	srdreg.scid  }
0x8b: {  	s0 =	sand.u32 $0x1, s1  }
0x8c: {  	s17 =	sshll.u32 s0, $0xA;
	s2 =	sadd.s32 s3, s2  }
0x8d: {  	s2 =	sadd.s32 s2, s17  }
0x8e: {  	[smem:$0x3FBD] =	sst s2  }
0x8f: {  	_ = 	snop  }
0x90: {  	s2 =	sld [smem:$0x3FD0];
	(tm) =	ssettm $0x1  }
0x91: {  	s18 =	sld [smem:$0x3FFB];
	_ =	sdelay $0x3  }
0x92: {  	_ =	strace s18  }
0x93: {  	s3 =	sld [smem:$0x3FFC];
	_ =	sdelay $0x3  }
0x94: {  	_ =	strace s3  }
0x95: {  	s3 =	sld [smem:$0x3FFD];
	_ =	sdelay $0x3  }
0x96: {  	_ =	strace s3  }
0x97: {  	_ =	strace $0x8FFFFFFF  }
0x98: {  	s19 =	sld [smem:$0x3FDB];
	_ =	sdelay $0x1  }
0x99: {  	s4 =	simm.s32 $_scs_section_size  }
0x9a: {  	s5 =	simm.s32 $_size__tile_overlayer_lowered;
	s6 =	simm.s32 $_tile_overlayer_lowered  }
0x9b: {  	s22 =	simm.s32 $0x1BFF;
	s21 =	sshll.u32 s6, $0x1;
	s3 =	sadd.s32 s4, s19  }
0x9c: {  	s7 =	simm.s32 $0x0;
	s20 =	sshll.u32 s5, $0x1;
	s5 =	sadd.s32 s21, s3  }
0x9d: {  	[timem:s7], [sflag:s22] =	dma.local [hbm:s5], s20  }
0x9e: {  	_ =	swait.ge [sflag:s22], s20  }
0x9f: {  	s4 =	ssub.s32 $0x0, s20;
	[sflag:s22] =	ssyncset.done $0x0  }
0xa0: {  	[sflag:s22] =	ssyncadd.s32 s4;
	_ =	sdelay $0x1  }
0xa1: {  	s23 =	simm.s32 $0x1B8B  }
0xa2: {  	_ =	swait.ge [sflag:s23], $0x1  }
0xa3: {  	[sflag:s23] =	ssyncset.done $0x0  }
0xa4: {  	s25 =	simm.s32 $0x1B8E;
	s24 =	sld [smem:$0x3FFE];
	[sflag:s23] =	ssyncadd.s32 $0xFFFFFFFF  }
0xa5: {  	s26 =	simm.s32 $execute0_lowered;
	[smem:$0x3FD2] =	sst s25  }
0xa6: {  	s5 =	sshll.u32 s26, $0x1;
	_ =	strace $0x80000049;
	[dreg:$0x1] =	wrdreg $0xFFFFFFFF  }
0xa7: {  	s28 =	simm.s32 $_size_execute0_lowered;
	s3 =	sadd.s32 s3, s5;
	[dreg:$0x0] =	wrdreg $0x0  }
0xa8: {  	s5 =	sshll.u32 s28, $0x1;
	[dreg:$0x2] =	wrdreg s3  }
0xa9: {  	[dreg:$0x3] =	wrdreg s5  }
0xaa: {  	[dreg:$0x4] =	wrdreg $0xC0  }
0xab: {  	_ =	task [dreg:s7], $0x5FFFF  }
0xac: {  	[dreg:$0x1] =	wrdreg $0xFFFFFFFF  }
0xad: {  	[dreg:$0x0] =	wrdreg $0x60  }
0xae: {  	[dreg:$0x2] =	wrdreg s2  }
0xaf: {  	[dreg:$0x3] =	wrdreg s24  }
0xb0: {  	[dreg:$0x4] =	wrdreg $0x9E200  }
0xb1: {  	[dreg:$0x5] =	wrdreg $0x9  }
0xb2: {  	_ =	task.clear_ibuf [dreg:s7], $0x6FFFF;
	_ =	strace $0x90000049  }
0xb3: {  	s29 =	simm.s32 $0x9;
	_ =	strace $0x8000004B  }
0xb4: {  	_ =	swait.ge [sflag:s29], $0x1  }
0xb5: {  	[sflag:s29] =	ssyncadd.s32 $0xFFFFFFFF  }
0xb6: {  	_ =	strace $0x9000004B  }
0xb7: {  	_ =	sfence  }
0xb8: {  	s30 =	sld [smem:$0x0];
	_ =	sdelay $0x2  }
0xb9: {  	s31 =	sshll.u32 s1, $0xD;
	s1 =	sshrl.u32 s1, $0x2  }
0xba: {  	s3 =	sand.u32 $0x4000, s31;
	s1 =	sadd.s32 s1, s30  }
0xbb: {  	s0 =	sor.u32 s3, s0;
	s1 =	sshll.u32 s1, $0x11  }
0xbc: {  	s0 =	sor.u32 s1, s0  }
0xbd: {  	s0 =	sadd.s32 $0x8F2B, s0  }
0xbe: {  	[sflag:s0] =	ssyncadd.remote.s32 $0x1  }
0xbf: {  	_ =	sfence.sel $0xFFFF  }
0xc0: {  	[dreg:$0x0] =	wrdreg $0xFFFFFFFF;
	(pc) =	sbr.abs _section_cstart, $3  }
0xc1: {  	[dreg:$0x1] =	wrdreg $0xFFFFFFFF  }
0xc2: {  	_ =	task.clear_ibuf [dreg:s7], $0x2FFFF;
	_ =	strace $0x9FFFFFFF  }
0xc3: {  	(tm) =	ssettm $0x7FFFFFFF  }
tec
execute0_lowered:
.L_overlay_start_1:
0x0: {  	(tag) =	ssettag $0x1  }
0x1: {  	s1 =	rddreg [dreg:$0x0]  }
0x2: {  	s6 =	rddreg [dreg:$0x1]  }
0x3: {  	s0 =	srdreg.scid;
	s3 =	rddreg [dreg:$0x2]  }
0x4: {  	s4 =	simm.s32 $0x0;
	s11 =	simm.s32 $0x2800;
	s14 =	simm.s32 $0x7D  }
0x5: {  	s15 =	simm.s32 $0x5000;
	s16 =	simm.s32 $0x7710;
	s17 =	simm.s32 $0x1  }
0x6: {  	s18 =	simm.s32 $0x2;
	s19 =	simm.s32 $0x2780;
	s20 =	simm.s32 $0x4F00  }
0x7: {  	s21 =	simm.s32 $0x4F80;
	s5 =	sand.u32 $0x1, s0;
	s0 =	stileid.u32  }
0x8: {  	s22 =	simm.s32 $0x0;
	[smem:$0x7FF] =	sst s4;
	s8 =	smul.u32 $0x186A, s0  }
0x9: {  	s2 =	sshll.u32 s5, $0x4;
	s9 =	smul.u32 $0x186A0, s5;
	s30 =	ssub.s32 $0x2, s5  }
0xa: {  	s10 =	smul.u32 $0x30D40, s0;
	s5 =	sadd.s32 $0x1400, s6;
	s12 =	sshll.u32 s0, $0x6  }
0xb: {  	s2 =	sor.u32 s0, s2;
	s31 =	sshrl.u32 s30, $0x1;
	s12 =	sor.u32 $0x1C03, s12  }
0xc: {  	s7 =	smul.u32 $0x500, s2;
	s2 =	rddreg [dreg:$0x3];
	_ =	strace $0x8000004A  }
0xd: {  	s8 =	sadd.s32 s8, s9;
	s9 =	ssub.s32 s30, s31;
	s10 =	sshrl.u32 s10, $0x2  }
0xe: {  	s8 =	sadd.s32 s8, s6;
	s13 =	sadd.s32 s10, s3;
	s9 =	smax.u32 s9, $0x1  }
0xf: {  	s10 =	simm.s32 $0x3;
	s7 =	sadd.s32 s7, s6;
	s8 =	sadd.s32 $0x16E00, s8  }
0x10: {  	s13 =	sshrl.u32 s13, $0x3;
	s6 =	sadd.s32 $0xCE00, s7;
	s7 =	sadd.s32 $0x2E00, s7  }
.LBB2_1:
0x11: {  	[tilespmem:s4], [sflag:$0x3] =	stream.linear.gather [hbm4b:s6+s4], $0x2800, $0x38;
	[tilespmem:$0x16170] =	vst v63  }
0x12: {  	_ =	swait.ge [sflag:s10], $0x2800  }
0x13: {  	[sflag:s10] =	ssyncset.done $0x0  }
0x14: {  	[sflag:s10] =	ssyncadd.s32 $0xFFFFD800  }
0x15: {  	[tilespmem:s11], [sflag:$0x3] =	stream.linear.gather [hbm4b:s7+s4], $0x2800, $0x38;
	[tilespmem:$0x16170] =	vst v63  }
0x16: {  	_ =	swait.ge [sflag:s10], $0x2800  }
0x17: {  	[sflag:s10] =	ssyncset.done $0x0  }
0x18: {  	[sflag:s10] =	ssyncadd.s32 $0xFFFFD800  }
0x19: {  	[spmem:s13], [sflag:s12] =	dma.local [hbm:s5], $0x186A  }
0x1a: {  	_ =	swait.ge [sflag:s10], $0x186A  }
0x1b: {  	[sflag:s10] =	ssyncset.done $0x0  }
0x1c: {  	[sflag:s10] =	ssyncadd.s32 $0xFFFFE796  }
0x1d: {  	[bflag:$0x0] =	sbarrier.arrive $0xFFFF  }
0x1e: {  	[tilespmem:s15], [sflag:$0x1] =	stream.indirect.gather [hbm4b:s1+s14], $0x50, s4, s14, $0xb8;
	[tilespmem:$0x16170] =	vst v63  }
0x1f: {  	s23 =	simm.s32 $0x80  }
0x20: {  	[tilespmem:s16], [sflag:$0x2] =	stream.indirect.gather [hbm4b:s1+s14], $0x50, s23, s14, $0xb8;
	[tilespmem:$0x16170] =	vst v63  }
0x21: {  	_ =	swait.ge [sflag:s17], $0x2710  }
0x22: {  	[sflag:s17] =	ssyncset.done $0x0  }
0x23: {  	s29 =	simm.s32 $0x2800;
	[sflag:s17] =	ssyncadd.s32 $0xFFFFD8F0  }
0x24: {  	[spmem:s3] =	stream.indirect.scatter.add.bf16 [tilespmem:s15], [sflag:$0x3], $0x50, s29, s14, $0xb8;
	[tilespmem:$0x16170] =	vst v63  }
0x25: {  	_ =	swait.ge [sflag:s10], $0x2710  }
0x26: {  	[sflag:s10] =	ssyncset.done $0x0  }
0x27: {  	s30 =	simm.s32 $0x100;
	[sflag:s10] =	ssyncadd.s32 $0xFFFFD8F0  }
0x28: {  	[tilespmem:s15], [sflag:$0x1] =	stream.indirect.gather [hbm4b:s1+s14], $0x50, s30, s14, $0xb8;
	[tilespmem:$0x16170] =	vst v63  }
0x29: {  	_ =	swait.ge [sflag:s18], $0x2710  }
0x2a: {  	[sflag:s18] =	ssyncset.done $0x0  }
0x2b: {  	s31 =	simm.s32 $0x2880;
	[sflag:s18] =	ssyncadd.s32 $0xFFFFD8F0  }
0x2c: {  	[spmem:s3] =	stream.indirect.scatter.add.bf16 [tilespmem:s16], [sflag:$0x3], $0x50, s31, s14, $0xb8;
	[tilespmem:$0x16170] =	vst v63  }
0x2d: {  	_ =	swait.ge [sflag:s10], $0x2710  }
0x2e: {  	s24 =	simm.s32 $0x800;
	s23 =	simm.s32 $0x100;
	[sflag:s10] =	ssyncset.done $0x0  }
.LBB2_2:
0x2f: {  	s25 =	sadd.s32 $0x80, s23  }
0x30: {  	[sflag:s10] =	ssyncadd.s32 $0xFFFFD8F0;
	s26 =	smov.u32 s24;
	s28 =	sadd.s32 $0x400, s24  }
0x31: {  	[tilespmem:s16], [sflag:$0x2] =	stream.indirect.gather [hbm4b:s1+s14], $0x50, s25, s14, $0xb8;
	[tilespmem:$0x16170] =	vst v63  }
0x32: {  	p0 =	sne.s32 s24, $0x9800;
	_ =	swait.ge [sflag:s17], $0x2710  }
0x33: {  	[sflag:s17] =	ssyncset.done $0x0  }
0x34: {  	s24 =	sadd.s32 $0x2800, s23;
	[sflag:s17] =	ssyncadd.s32 $0xFFFFD8F0  }
0x35: {  	[spmem:s3] =	stream.indirect.scatter.add.bf16 [tilespmem:s15], [sflag:$0x3], $0x50, s24, s14, $0xb8;
	[tilespmem:$0x16170] =	vst v63  }
0x36: {  	_ =	swait.ge [sflag:s10], $0x2710  }
0x37: {  	[sflag:s10] =	ssyncset.done $0x0  }
0x38: {  	s24 =	sadd.s32 $0x100, s23;
	[sflag:s10] =	ssyncadd.s32 $0xFFFFD8F0  }
0x39: {  	[tilespmem:s15], [sflag:$0x1] =	stream.indirect.gather [hbm4b:s1+s14], $0x50, s24, s14, $0xb8;
	[tilespmem:$0x16170] =	vst v63  }
0x3a: {  	_ =	swait.ge [sflag:s18], $0x2710  }
.Ltmp0:
0x3b: {  	[sflag:s18] =	ssyncset.done $0x0;
	(pc) =	sbr.rel @p0 .LBB2_2-.Ltmp0, $4  }
0x3c: {  	s23 =	sadd.s32 $0x2880, s23;
	[sflag:s18] =	ssyncadd.s32 $0xFFFFD8F0  }
0x3d: {  	[spmem:s3] =	stream.indirect.scatter.add.bf16 [tilespmem:s16], [sflag:$0x3], $0x50, s23, s14, $0xb8;
	[tilespmem:$0x16170] =	vst v63  }
0x3e: {  	_ =	swait.ge [sflag:s10], $0x2710  }
0x3f: {  	s24 =	smov.u32 s28;
	s23 =	sshra.s32 s26, $0x2;
	[sflag:s10] =	ssyncset.done $0x0  }
0x40: {  	s24 =	sadd.s32 $0x80, s23;
	[sflag:s10] =	ssyncadd.s32 $0xFFFFD8F0  }
0x41: {  	[tilespmem:s16], [sflag:$0x2] =	stream.indirect.gather [hbm4b:s1+s14], $0x50, s24, s14, $0xb8;
	[tilespmem:$0x16170] =	vst v63  }
0x42: {  	_ =	swait.ge [sflag:s17], $0x2710  }
0x43: {  	[sflag:s17] =	ssyncset.done $0x0  }
0x44: {  	s29 =	sadd.s32 $0x2800, s23;
	[sflag:s17] =	ssyncadd.s32 $0xFFFFD8F0  }
0x45: {  	[spmem:s3] =	stream.indirect.scatter.add.bf16 [tilespmem:s15], [sflag:$0x3], $0x50, s29, s14, $0xb8;
	[tilespmem:$0x16170] =	vst v63  }
0x46: {  	_ =	swait.ge [sflag:s10], $0x2710  }
0x47: {  	[sflag:s10] =	ssyncset.done $0x0  }
0x48: {  	s30 =	sadd.s32 $0x100, s23;
	[sflag:s10] =	ssyncadd.s32 $0xFFFFD8F0  }
0x49: {  	[tilespmem:s15], [sflag:$0x1] =	stream.indirect.gather [hbm4b:s1+s14], $0x50, s30, s14, $0xb8;
	[tilespmem:$0x16170] =	vst v63  }
0x4a: {  	_ =	swait.ge [sflag:s18], $0x2710  }
0x4b: {  	[sflag:s18] =	ssyncset.done $0x0  }
0x4c: {  	s31 =	sadd.s32 $0x2880, s23;
	[sflag:s18] =	ssyncadd.s32 $0xFFFFD8F0  }
0x4d: {  	[spmem:s3] =	stream.indirect.scatter.add.bf16 [tilespmem:s16], [sflag:$0x3], $0x50, s31, s14, $0xb8;
	[tilespmem:$0x16170] =	vst v63  }
0x4e: {  	_ =	swait.ge [sflag:s10], $0x2710  }
0x4f: {  	[sflag:s10] =	ssyncset.done $0x0  }
0x50: {  	[sflag:s10] =	ssyncadd.s32 $0xFFFFD8F0  }
0x51: {  	[tilespmem:s16], [sflag:$0x2] =	stream.indirect.gather [hbm4b:s1+s14], $0x50, s19, s14, $0xb8;
	[tilespmem:$0x16170] =	vst v63  }
0x52: {  	_ =	swait.ge [sflag:s17], $0x2710  }
0x53: {  	[sflag:s17] =	ssyncset.done $0x0  }
0x54: {  	[sflag:s17] =	ssyncadd.s32 $0xFFFFD8F0  }
0x55: {  	[spmem:s3] =	stream.indirect.scatter.add.bf16 [tilespmem:s15], [sflag:$0x3], $0x50, s20, s14, $0xb8;
	[tilespmem:$0x16170] =	vst v63  }
0x56: {  	_ =	swait.ge [sflag:s10], $0x2710  }
0x57: {  	[sflag:s10] =	ssyncset.done $0x0  }
0x58: {  	[sflag:s10] =	ssyncadd.s32 $0xFFFFD8F0  }
0x59: {  	_ =	swait.ge [sflag:s18], $0x2710  }
0x5a: {  	[sflag:s18] =	ssyncset.done $0x0  }
0x5b: {  	[sflag:s18] =	ssyncadd.s32 $0xFFFFD8F0  }
0x5c: {  	[spmem:s3] =	stream.indirect.scatter.add.bf16 [tilespmem:s16], [sflag:$0x3], $0x50, s21, s14, $0xb8;
	[tilespmem:$0x16170] =	vst v63  }
0x5d: {  	_ =	swait.ge [sflag:s10], $0x2710  }
0x5e: {  	s22 =	sadd.s32 $0x1, s22;
	[sflag:s10] =	ssyncset.done $0x0  }
0x5f: {  	p0 =	sne.s32 s22, s9;
	[sflag:s10] =	ssyncadd.s32 $0xFFFFD8F0  }
.Ltmp1:
0x60: {  	[bflag:$0x0] =	sbarrier.arrive $0xFFFF;
	(pc) =	sbr.rel @p0 .LBB2_1-.Ltmp1, $4  }
0x61: {  	[hbm:s8], [sflag:s12] =	dma.local [spmem:s13], $0x186A  }
0x62: {  	_ =	swait.ge [sflag:s10], $0x186A  }
0x63: {  	[sflag:s10] =	ssyncset.done $0x0  }
0x64: {  	[sflag:s10] =	ssyncadd.s32 $0xFFFFE796  }
0x65: {  	_ =	sfence.sel $0x180000  }
0x66: {  	[bflag:$0x0] =	sbarrier.arrive $0xFFFF  }
0x67: {  	p0 =	sne.s32 s0, $0x0;
	_ =	strace $0x9000004A  }
0x68: {  	s0 =	sadd.s32 @!p0 $0x100000, s2;
	[bflag:$0x2] =	sbarrier.arrive $0xFFFF  }
0x69: {  	[sflag:s0] =	ssyncadd.tile.s32 @!p0 $0x1;
	_ =	shalt  }
.Lfunc_end2:
_tile_overlayer_lowered:
.L_overlay_start_2:
0x6a: {  	(tag) =	ssettag $0x2  }
0x6b: {  	s0 =	rddreg [dreg:$0x0];
	s2 =	stileid.u32  }
0x6c: {  	s1 =	rddreg [dreg:$0x1];
	p0 =	sne.s32 s2, $0x0  }
0x6d: {  	s3 =	rddreg [dreg:$0x2];
	[bflag:$0x3] =	sbarrier.arrive $0xFFFF;
	s2 =	simm.s32 @!p0 $0x1C03  }
0x6e: {  	[timem:s3], [sflag:s2] =	dma.local @!p0 [hbm:s0], s1  }
0x6f: {  	s0 =	simm.s32 @!p0 $0x3  }
0x70: {  	_ =	swait.ge @!p0 [sflag:s0], s1  }
0x71: {  	s1 =	ssub.s32 @!p0 $0x0, s1;
	[sflag:s0] =	ssyncset.done @!p0 $0x0  }
0x72: {  	[sflag:s0] =	ssyncadd.s32 @!p0 s1  }
0x73: {  	[bflag:$0x3] =	sbarrier.arrive $0xFFFF  }
0x74: {  	_ =	shalt  }

// kernel: kernel.7.cloned.1.call-start
scs
__scs_entry_jumppad:
0x0: {  	(pc) =	sbr.rel $0x88, $3  }
0x1: {  	(tag) =	ssettag $0x0;
	lr =	simm.s32 $0x1  }
0x2: {  	[smem:$0x3F96] =	sst lr;
	_ =	strace $0xD0000000  }
0x3: {  	_ = 	snop  }
0x4: {  	_ = 	snop  }
0x5: {  	_ = 	snop  }
0x6: {  	_ = 	snop  }
0x7: {  	_ = 	snop  }
__scs_overlays_trampoline_lowered:
0x8: {  	[smem:$0x3FA5] =	sst s0  }
0x9: {  	[smem:$0x3FA6] =	sst s1  }
0xa: {  	[smem:$0x3FA7] =	sst s2  }
0xb: {  	[smem:$0x3FA8] =	sst s3  }
0xc: {  	[smem:$0x3FA9] =	sst s4  }
0xd: {  	[smem:$0x3FAA] =	sst s5  }
0xe: {  	[smem:$0x3FAB] =	sst s6  }
0xf: {  	[smem:$0x3FAC] =	sst s7  }
0x10: {  	[smem:$0x3FAD] =	sst s8  }
0x11: {  	[smem:$0x3FAE] =	sst s9;
	s0 =	simm.s32 @!p0 $0x0  }
0x12: {  	s1 =	sld [smem:$0x3F94];
	s0 =	simm.s32 @p0 $0x1  }
0x13: {  	[smem:$0x3FAF] =	sst s0;
	s0 =	simm.s32 @!p1 $0x0  }
0x14: {  	s2 =	sld [smem:$0x3F93];
	s0 =	simm.s32 @p1 $0x1  }
0x15: {  	[smem:$0x3FB0] =	sst s0;
	s0 =	simm.s32 @!p2 $0x0  }
0x16: {  	s3 =	sld [smem:$0x3FDB];
	s0 =	simm.s32 @p2 $0x1  }
0x17: {  	s4 =	simm.s32 $0x1BF5;
	[smem:$0x3FB2] =	sst s0  }
0x18: {  	s0 =	sld [smem:$0x3F95];
	_ =	swait.ge [sflag:s4], $0x0  }
0x19: {  	s7 =	sld [smem:$0x3F96]  }
0x1a: {  	s8 =	sadd.s32 $0xFFFFE003, lr  }
0x1b: {  	s9 =	sadd.s32 $0xFFFFFEF7, lr;
	s5 =	simm.s32 $0xFFFFFFFF;
	p2 =	slt.u32 s8, $0xFFFFF086  }
0x1c: {  	p1 =	slt.u32 s9, $0xF7A;
	s5 =	simm.s32 @!p2 $0x0  }
0x1d: {  	s5 =	simm.s32 @p1 $0x1;
	p0 =	seq.s32 s7, s2  }
0x1e: {  	s7 =	smul.u32 @!p0 $0xF7A, s2;
	p2 =	seq.s32 @!p0 s5, $0x0  }
0x1f: {  	s9 =	smul.u32 $0xF7A, s1;
	s8 =	simm.s32 @!p0 $0x1BF5;
	p2 =	por !p2, p0  }
0x20: {  	[sflag:s8] =	ssyncset.s32 @!p0 $0xFFFFF086;
	s6 =	sadd.s32 @!p0 s3, s7;
	s7 =	simm.s32 @!p0 $0x108  }
0x21: {  	s3 =	sadd.s32 s3, s9;
	s6 =	sadd.s32 @!p0 $0x88, s6;
	s7 =	simm.s32 @p2 $0x1082  }
0x22: {  	[simem:s7], [sflag:s8] =	dma.local @!p0 [hbm:s6], $0xF7A  }
0x23: {  	s9 =	sor.u32 $0xD0000000, s2;
	s6 =	simm.s32 $0x108;
	_ =	swait.ge @!p0 [sflag:s8], $0x0  }
0x24: {  	s3 =	sadd.s32 $0x88, s3;
	s6 =	simm.s32 @!p1 $0x1082;
	[sflag:s4] =	ssyncset.s32 $0xFFFFF086  }
0x25: {  	[simem:s6], [sflag:s4] =	dma.local [hbm:s3], $0xF7A  }
0x26: {  	[smem:$0x3F96] =	sst s1;
	(tag) =	ssettag s2;
	_ =	strace s9  }
0x27: {  	s1 =	sld [smem:$0x3FA6]  }
0x28: {  	s2 =	sld [smem:$0x3FA7]  }
0x29: {  	s4 =	sld [smem:$0x3FA9]  }
0x2a: {  	p0 =	seq.s32 s5, $0x0;
	s5 =	sld [smem:$0x3FAA]  }
0x2b: {  	s6 =	sld [smem:$0x3FAB]  }
0x2c: {  	s7 =	sld [smem:$0x3FAC]  }
0x2d: {  	s3 =	simm.s32 $0x108;
	s8 =	sld [smem:$0x3FAD]  }
0x2e: {  	s3 =	simm.s32 @!p0 $0x1082;
	s9 =	sld [smem:$0x3FAE]  }
0x2f: {  	lr =	sadd.s32 s0, s3;
	s0 =	sld [smem:$0x3FA5]  }
0x30: {  	s3 =	sld [smem:$0x3FA8]  }
0x31: {  	[smem:$0x3FB1] =	sst s10  }
0x32: {  	s10 =	sld [smem:$0x3FAF];
	_ =	sdelay $0x3  }
0x33: {  	p0 =	seq.s32 s10, $0x1;
	s10 =	sld [smem:$0x3FB1];
	_ =	sdelay $0x3  }
0x34: {  	[smem:$0x3FB1] =	sst s10  }
0x35: {  	s10 =	sld [smem:$0x3FB0];
	_ =	sdelay $0x3  }
0x36: {  	p1 =	seq.s32 s10, $0x1;
	s10 =	sld [smem:$0x3FB1];
	_ =	sdelay $0x3  }
0x37: {  	[smem:$0x3FB1] =	sst s10  }
0x38: {  	s10 =	sld [smem:$0x3FB2]  }
0x39: {  	_ = 	snop;
	(pc) =	sbr.ind lr, $3  }
0x3a: {  	_ = 	snop  }
0x3b: {  	_ = 	snop  }
0x3c: {  	p2 =	seq.s32 s10, $0x1;
	s10 =	sld [smem:$0x3FB1]  }
0x3d: {  	_ =	shalt  }
0x3e: {  	_ =	shalt  }
0x3f: {  	_ =	shalt  }
0x40: {  	_ =	shalt  }
0x41: {  	_ =	shalt  }
0x42: {  	_ =	shalt  }
0x43: {  	_ =	shalt  }
0x44: {  	_ =	shalt  }
0x45: {  	_ =	shalt  }
0x46: {  	_ =	shalt  }
0x47: {  	_ =	shalt  }
0x48: {  	_ =	shalt  }
0x49: {  	_ =	shalt  }
0x4a: {  	_ =	shalt  }
0x4b: {  	_ =	shalt  }
0x4c: {  	_ =	shalt  }
0x4d: {  	_ =	shalt  }
0x4e: {  	_ =	shalt  }
0x4f: {  	_ =	shalt  }
0x50: {  	_ =	shalt  }
0x51: {  	_ =	shalt  }
0x52: {  	_ =	shalt  }
0x53: {  	_ =	shalt  }
0x54: {  	_ =	shalt  }
0x55: {  	_ =	shalt  }
0x56: {  	_ =	shalt  }
0x57: {  	_ =	shalt  }
0x58: {  	_ =	shalt  }
0x59: {  	_ =	shalt  }
0x5a: {  	_ =	shalt  }
0x5b: {  	_ =	shalt  }
0x5c: {  	_ =	shalt  }
0x5d: {  	_ =	shalt  }
0x5e: {  	_ =	shalt  }
0x5f: {  	_ =	shalt  }
0x60: {  	_ =	shalt  }
0x61: {  	_ =	shalt  }
0x62: {  	_ =	shalt  }
0x63: {  	_ =	shalt  }
0x64: {  	_ =	shalt  }
0x65: {  	_ =	shalt  }
0x66: {  	_ =	shalt  }
0x67: {  	_ =	shalt  }
0x68: {  	_ =	shalt  }
0x69: {  	_ =	shalt  }
0x6a: {  	_ =	shalt  }
0x6b: {  	_ =	shalt  }
0x6c: {  	_ =	shalt  }
0x6d: {  	_ =	shalt  }
0x6e: {  	_ =	shalt  }
0x6f: {  	_ =	shalt  }
0x70: {  	_ =	shalt  }
0x71: {  	_ =	shalt  }
0x72: {  	_ =	shalt  }
0x73: {  	_ =	shalt  }
0x74: {  	_ =	shalt  }
0x75: {  	_ =	shalt  }
0x76: {  	_ =	shalt  }
0x77: {  	_ =	shalt  }
0x78: {  	_ =	shalt  }
0x79: {  	_ =	shalt  }
0x7a: {  	_ =	shalt  }
0x7b: {  	_ =	shalt  }
0x7c: {  	_ =	shalt  }
0x7d: {  	_ =	shalt  }
0x7e: {  	_ =	shalt  }
0x7f: {  	_ =	shalt  }
0x80: {  	_ =	shalt  }
0x81: {  	_ =	shalt  }
0x82: {  	_ =	shalt  }
0x83: {  	_ =	shalt  }
0x84: {  	_ =	shalt  }
0x85: {  	_ =	shalt  }
0x86: {  	_ =	shalt  }
0x87: {  	_ =	shalt  }
.Lfunc_end0:
.L_simem_size_0:
called_computation_lowered:
.L_overlay_start_0:
0x88: {  	s2 =	sld [smem:$0x3FD9]  }
0x89: {  	s3 =	sld [smem:$0x3FFE];
	_ =	sdelay $0x1  }
0x8a: {  	s1 =	srdreg.scid  }
0x8b: {  	s0 =	sand.u32 $0x1, s1  }
0x8c: {  	s17 =	sshll.u32 s0, $0xA;
	s2 =	sadd.s32 s3, s2  }
0x8d: {  	s2 =	sadd.s32 s2, s17  }
0x8e: {  	[smem:$0x3FBD] =	sst s2  }
0x8f: {  	_ = 	snop  }
0x90: {  	s2 =	sld [smem:$0x3FD0];
	(tm) =	ssettm $0x1  }
0x91: {  	s18 =	sld [smem:$0x3FFB];
	_ =	sdelay $0x3  }
0x92: {  	_ =	strace s18  }
0x93: {  	s3 =	sld [smem:$0x3FFC];
	_ =	sdelay $0x3  }
0x94: {  	_ =	strace s3  }
0x95: {  	s3 =	sld [smem:$0x3FFD];
	_ =	sdelay $0x3  }
0x96: {  	_ =	strace s3  }
0x97: {  	_ =	strace $0x8FFFFFFF  }
0x98: {  	s19 =	sld [smem:$0x3FDB];
	_ =	sdelay $0x1  }
0x99: {  	s4 =	simm.s32 $_scs_section_size  }
0x9a: {  	s5 =	simm.s32 $_size__tile_overlayer_lowered;
	s6 =	simm.s32 $_tile_overlayer_lowered  }
0x9b: {  	s22 =	simm.s32 $0x1BFF;
	s21 =	sshll.u32 s6, $0x1;
	s3 =	sadd.s32 s4, s19  }
0x9c: {  	s7 =	simm.s32 $0x0;
	s20 =	sshll.u32 s5, $0x1;
	s5 =	sadd.s32 s21, s3  }
0x9d: {  	[timem:s7], [sflag:s22] =	dma.local [hbm:s5], s20  }
0x9e: {  	_ =	swait.ge [sflag:s22], s20  }
0x9f: {  	s4 =	ssub.s32 $0x0, s20;
	[sflag:s22] =	ssyncset.done $0x0  }
0xa0: {  	[sflag:s22] =	ssyncadd.s32 s4;
	_ =	sdelay $0x1  }
0xa1: {  	s23 =	simm.s32 $0x1B8B  }
0xa2: {  	_ =	swait.ge [sflag:s23], $0x1  }
0xa3: {  	[sflag:s23] =	ssyncset.done $0x0  }
0xa4: {  	s25 =	simm.s32 $0x1B8E;
	s24 =	sld [smem:$0x3FFE];
	[sflag:s23] =	ssyncadd.s32 $0xFFFFFFFF  }
0xa5: {  	s26 =	simm.s32 $execute0_lowered;
	[smem:$0x3FD2] =	sst s25  }
0xa6: {  	s5 =	sshll.u32 s26, $0x1;
	_ =	strace $0x80000046;
	[dreg:$0x1] =	wrdreg $0xFFFFFFFF  }
0xa7: {  	s28 =	simm.s32 $_size_execute0_lowered;
	s3 =	sadd.s32 s3, s5;
	[dreg:$0x0] =	wrdreg $0x0  }
0xa8: {  	s5 =	sshll.u32 s28, $0x1;
	[dreg:$0x2] =	wrdreg s3  }
0xa9: {  	[dreg:$0x3] =	wrdreg s5  }
0xaa: {  	[dreg:$0x4] =	wrdreg $0xC0  }
0xab: {  	_ =	task [dreg:s7], $0x5FFFF  }
0xac: {  	[dreg:$0x1] =	wrdreg $0xFFFFFFFF  }
0xad: {  	[dreg:$0x0] =	wrdreg $0x60  }
0xae: {  	[dreg:$0x2] =	wrdreg s2  }
0xaf: {  	[dreg:$0x3] =	wrdreg s24  }
0xb0: {  	[dreg:$0x4] =	wrdreg $0x9E200  }
0xb1: {  	[dreg:$0x5] =	wrdreg $0x9  }
0xb2: {  	_ =	task.clear_ibuf [dreg:s7], $0x6FFFF;
	_ =	strace $0x90000046  }
0xb3: {  	s29 =	simm.s32 $0x9;
	_ =	strace $0x80000048  }
0xb4: {  	_ =	swait.ge [sflag:s29], $0x1  }
0xb5: {  	[sflag:s29] =	ssyncadd.s32 $0xFFFFFFFF  }
0xb6: {  	_ =	strace $0x90000048  }
0xb7: {  	_ =	sfence  }
0xb8: {  	s30 =	sld [smem:$0x0];
	_ =	sdelay $0x2  }
0xb9: {  	s31 =	sshll.u32 s1, $0xD;
	s1 =	sshrl.u32 s1, $0x2  }
0xba: {  	s3 =	sand.u32 $0x4000, s31;
	s1 =	sadd.s32 s1, s30  }
0xbb: {  	s0 =	sor.u32 s3, s0;
	s1 =	sshll.u32 s1, $0x11  }
0xbc: {  	s0 =	sor.u32 s1, s0  }
0xbd: {  	s0 =	sadd.s32 $0x8F2B, s0  }
0xbe: {  	[sflag:s0] =	ssyncadd.remote.s32 $0x1  }
0xbf: {  	_ =	sfence.sel $0xFFFF  }
0xc0: {  	[dreg:$0x0] =	wrdreg $0xFFFFFFFF;
	(pc) =	sbr.abs _section_cstart, $3  }
0xc1: {  	[dreg:$0x1] =	wrdreg $0xFFFFFFFF  }
0xc2: {  	_ =	task.clear_ibuf [dreg:s7], $0x2FFFF;
	_ =	strace $0x9FFFFFFF  }
0xc3: {  	(tm) =	ssettm $0x7FFFFFFF  }
tec
execute0_lowered:
.L_overlay_start_1:
0x0: {  	(tag) =	ssettag $0x1  }
0x1: {  	s1 =	rddreg [dreg:$0x0]  }
0x2: {  	s0 =	srdreg.scid;
	s7 =	rddreg [dreg:$0x1]  }
0x3: {  	s3 =	rddreg [dreg:$0x2];
	s4 =	simm.s32 $0x0;
	s14 =	simm.s32 $0x7D  }
0x4: {  	s15 =	simm.s32 $0x5000;
	s16 =	simm.s32 $0x7710;
	s17 =	simm.s32 $0x1  }
0x5: {  	s18 =	simm.s32 $0x2;
	s19 =	simm.s32 $0x2780;
	s6 =	sand.u32 $0x1, s0  }
0x6: {  	s20 =	simm.s32 $0x4F00;
	s0 =	stileid.u32;
	s8 =	smul.u32 $0xC350, s6  }
0x7: {  	s21 =	simm.s32 $0x4F80;
	s23 =	simm.s32 $0x0;
	s9 =	smul.u32 $0x186A, s0  }
0x8: {  	[smem:$0x7FF] =	sst s4;
	s2 =	sshll.u32 s6, $0x4;
	s11 =	smul.u32 $0x19000, s0  }
0x9: {  	s6 =	ssub.s32 $0x2, s6;
	s12 =	smul.u32 $0x30D40, s0;
	s31 =	sshll.u32 s0, $0x6  }
0xa: {  	p0 =	sgt.u32 s0, $0x7;
	s5 =	sor.u32 s0, s2;
	s2 =	rddreg [dreg:$0x3]  }
0xb: {  	_ =	strace $0x80000047;
	s28 =	sshrl.u32 s6, $0x1;
	s5 =	smul.u32 $0x500, s5  }
0xc: {  	s8 =	sadd.s32 s9, s8;
	s9 =	ssub.s32 s6, s28;
	s29 =	sshrl.u32 s11, $0x2  }
0xd: {  	s30 =	sshrl.u32 s12, $0x2;
	s11 =	simm.s32 $0x2800;
	s12 =	sor.u32 $0x1C03, s31  }
0xe: {  	s8 =	sadd.s32 s8, s7;
	s13 =	sadd.s32 s29, s3;
	s22 =	sadd.s32 s30, s3  }
0xf: {  	s9 =	smax.u32 s9, $0x1;
	s10 =	sadd.s32 s5, s7;
	s5 =	sadd.s32 $0x1400, s7  }
0x10: {  	s8 =	sadd.s32 $0x16E00, s8;
	s13 =	sshrl.u32 s13, $0x3;
	s22 =	sshrl.u32 @!p0 s22, $0x3  }
0x11: {  	s6 =	sadd.s32 $0x2E00, s10;
	s7 =	sadd.s32 $0xCE00, s10;
	s10 =	simm.s32 $0x3  }
.LBB2_1:
0x12: {  	[tilespmem:s4], [sflag:$0x3] =	stream.linear.gather [hbm4b:s6+s4], $0x2800, $0x38;
	[tilespmem:$0x10220] =	vst v63  }
0x13: {  	_ =	swait.ge [sflag:s10], $0x2800  }
0x14: {  	[sflag:s10] =	ssyncset.done $0x0  }
0x15: {  	[sflag:s10] =	ssyncadd.s32 $0xFFFFD800  }
0x16: {  	[tilespmem:s11], [sflag:$0x3] =	stream.linear.gather [hbm4b:s7+s4], $0x2800, $0x38;
	[tilespmem:$0x10220] =	vst v63  }
0x17: {  	_ =	swait.ge [sflag:s10], $0x2800  }
0x18: {  	[sflag:s10] =	ssyncset.done $0x0  }
0x19: {  	[sflag:s10] =	ssyncadd.s32 $0xFFFFD800  }
0x1a: {  	[spmem:s13], [sflag:s12] =	dma.local [hbm:s5], $0xC80  }
0x1b: {  	_ =	swait.ge [sflag:s10], $0xC80  }
0x1c: {  	[sflag:s10] =	ssyncset.done $0x0  }
0x1d: {  	[sflag:s10] =	ssyncadd.s32 $0xFFFFF380  }
0x1e: {  	[bflag:$0x0] =	sbarrier.arrive $0xFFFF  }
0x1f: {  	[tilespmem:s15], [sflag:$0x1] =	stream.indirect.gather [hbm4b:s1+s14], $0x50, s4, s14, $0xb8;
	[tilespmem:$0x10220] =	vst v63  }
0x20: {  	s24 =	simm.s32 $0x80  }
0x21: {  	[tilespmem:s16], [sflag:$0x2] =	stream.indirect.gather [hbm4b:s1+s14], $0x50, s24, s14, $0xb8;
	[tilespmem:$0x10220] =	vst v63  }
0x22: {  	_ =	swait.ge [sflag:s17], $0x2710  }
0x23: {  	[sflag:s17] =	ssyncset.done $0x0  }
0x24: {  	s29 =	simm.s32 $0x2800;
	[sflag:s17] =	ssyncadd.s32 $0xFFFFD8F0  }
0x25: {  	[spmem:s3] =	stream.indirect.scatter.add.bf16 [tilespmem:s15], [sflag:$0x3], $0x50, s29, s14, $0xb8;
	[tilespmem:$0x10220] =	vst v63  }
0x26: {  	_ =	swait.ge [sflag:s10], $0x2710  }
0x27: {  	[sflag:s10] =	ssyncset.done $0x0  }
0x28: {  	s30 =	simm.s32 $0x100;
	[sflag:s10] =	ssyncadd.s32 $0xFFFFD8F0  }
0x29: {  	[tilespmem:s15], [sflag:$0x1] =	stream.indirect.gather [hbm4b:s1+s14], $0x50, s30, s14, $0xb8;
	[tilespmem:$0x10220] =	vst v63  }
0x2a: {  	_ =	swait.ge [sflag:s18], $0x2710  }
0x2b: {  	[sflag:s18] =	ssyncset.done $0x0  }
0x2c: {  	s31 =	simm.s32 $0x2880;
	[sflag:s18] =	ssyncadd.s32 $0xFFFFD8F0  }
0x2d: {  	[spmem:s3] =	stream.indirect.scatter.add.bf16 [tilespmem:s16], [sflag:$0x3], $0x50, s31, s14, $0xb8;
	[tilespmem:$0x10220] =	vst v63  }
0x2e: {  	_ =	swait.ge [sflag:s10], $0x2710  }
0x2f: {  	s25 =	simm.s32 $0x800;
	s24 =	simm.s32 $0x100;
	[sflag:s10] =	ssyncset.done $0x0  }
.LBB2_2:
0x30: {  	s26 =	sadd.s32 $0x80, s24  }
0x31: {  	[sflag:s10] =	ssyncadd.s32 $0xFFFFD8F0;
	s28 =	smov.u32 s25;
	s29 =	sadd.s32 $0x400, s25  }
0x32: {  	[tilespmem:s16], [sflag:$0x2] =	stream.indirect.gather [hbm4b:s1+s14], $0x50, s26, s14, $0xb8;
	[tilespmem:$0x10220] =	vst v63  }
0x33: {  	p1 =	sne.s32 s25, $0x9800;
	_ =	swait.ge [sflag:s17], $0x2710  }
0x34: {  	[sflag:s17] =	ssyncset.done $0x0  }
0x35: {  	s25 =	sadd.s32 $0x2800, s24;
	[sflag:s17] =	ssyncadd.s32 $0xFFFFD8F0  }
0x36: {  	[spmem:s3] =	stream.indirect.scatter.add.bf16 [tilespmem:s15], [sflag:$0x3], $0x50, s25, s14, $0xb8;
	[tilespmem:$0x10220] =	vst v63  }
0x37: {  	_ =	swait.ge [sflag:s10], $0x2710  }
0x38: {  	[sflag:s10] =	ssyncset.done $0x0  }
0x39: {  	s25 =	sadd.s32 $0x100, s24;
	[sflag:s10] =	ssyncadd.s32 $0xFFFFD8F0  }
0x3a: {  	[tilespmem:s15], [sflag:$0x1] =	stream.indirect.gather [hbm4b:s1+s14], $0x50, s25, s14, $0xb8;
	[tilespmem:$0x10220] =	vst v63  }
0x3b: {  	_ =	swait.ge [sflag:s18], $0x2710  }
.Ltmp0:
0x3c: {  	[sflag:s18] =	ssyncset.done $0x0;
	(pc) =	sbr.rel @p1 .LBB2_2-.Ltmp0, $4  }
0x3d: {  	s24 =	sadd.s32 $0x2880, s24;
	[sflag:s18] =	ssyncadd.s32 $0xFFFFD8F0  }
0x3e: {  	[spmem:s3] =	stream.indirect.scatter.add.bf16 [tilespmem:s16], [sflag:$0x3], $0x50, s24, s14, $0xb8;
	[tilespmem:$0x10220] =	vst v63  }
0x3f: {  	_ =	swait.ge [sflag:s10], $0x2710  }
0x40: {  	s25 =	smov.u32 s29;
	s24 =	sshra.s32 s28, $0x2;
	[sflag:s10] =	ssyncset.done $0x0  }
0x41: {  	s25 =	sadd.s32 $0x80, s24;
	[sflag:s10] =	ssyncadd.s32 $0xFFFFD8F0  }
0x42: {  	[tilespmem:s16], [sflag:$0x2] =	stream.indirect.gather [hbm4b:s1+s14], $0x50, s25, s14, $0xb8;
	[tilespmem:$0x10220] =	vst v63  }
0x43: {  	_ =	swait.ge [sflag:s17], $0x2710  }
0x44: {  	[sflag:s17] =	ssyncset.done $0x0  }
0x45: {  	s29 =	sadd.s32 $0x2800, s24;
	[sflag:s17] =	ssyncadd.s32 $0xFFFFD8F0  }
0x46: {  	[spmem:s3] =	stream.indirect.scatter.add.bf16 [tilespmem:s15], [sflag:$0x3], $0x50, s29, s14, $0xb8;
	[tilespmem:$0x10220] =	vst v63  }
0x47: {  	_ =	swait.ge [sflag:s10], $0x2710  }
0x48: {  	[sflag:s10] =	ssyncset.done $0x0  }
0x49: {  	s30 =	sadd.s32 $0x100, s24;
	[sflag:s10] =	ssyncadd.s32 $0xFFFFD8F0  }
0x4a: {  	[tilespmem:s15], [sflag:$0x1] =	stream.indirect.gather [hbm4b:s1+s14], $0x50, s30, s14, $0xb8;
	[tilespmem:$0x10220] =	vst v63  }
0x4b: {  	_ =	swait.ge [sflag:s18], $0x2710  }
0x4c: {  	[sflag:s18] =	ssyncset.done $0x0  }
0x4d: {  	s31 =	sadd.s32 $0x2880, s24;
	[sflag:s18] =	ssyncadd.s32 $0xFFFFD8F0  }
0x4e: {  	[spmem:s3] =	stream.indirect.scatter.add.bf16 [tilespmem:s16], [sflag:$0x3], $0x50, s31, s14, $0xb8;
	[tilespmem:$0x10220] =	vst v63  }
0x4f: {  	_ =	swait.ge [sflag:s10], $0x2710  }
0x50: {  	[sflag:s10] =	ssyncset.done $0x0  }
0x51: {  	[sflag:s10] =	ssyncadd.s32 $0xFFFFD8F0  }
0x52: {  	[tilespmem:s16], [sflag:$0x2] =	stream.indirect.gather [hbm4b:s1+s14], $0x50, s19, s14, $0xb8;
	[tilespmem:$0x10220] =	vst v63  }
0x53: {  	_ =	swait.ge [sflag:s17], $0x2710  }
0x54: {  	[sflag:s17] =	ssyncset.done $0x0  }
0x55: {  	[sflag:s17] =	ssyncadd.s32 $0xFFFFD8F0  }
0x56: {  	[spmem:s3] =	stream.indirect.scatter.add.bf16 [tilespmem:s15], [sflag:$0x3], $0x50, s20, s14, $0xb8;
	[tilespmem:$0x10220] =	vst v63  }
0x57: {  	_ =	swait.ge [sflag:s10], $0x2710  }
0x58: {  	[sflag:s10] =	ssyncset.done $0x0  }
0x59: {  	[sflag:s10] =	ssyncadd.s32 $0xFFFFD8F0  }
0x5a: {  	_ =	swait.ge [sflag:s18], $0x2710  }
0x5b: {  	[sflag:s18] =	ssyncset.done $0x0  }
0x5c: {  	[sflag:s18] =	ssyncadd.s32 $0xFFFFD8F0  }
0x5d: {  	[spmem:s3] =	stream.indirect.scatter.add.bf16 [tilespmem:s16], [sflag:$0x3], $0x50, s21, s14, $0xb8;
	[tilespmem:$0x10220] =	vst v63  }
0x5e: {  	_ =	swait.ge [sflag:s10], $0x2710  }
0x5f: {  	s23 =	sadd.s32 $0x1, s23;
	[sflag:s10] =	ssyncset.done $0x0  }
0x60: {  	p1 =	sne.s32 s23, s9;
	[sflag:s10] =	ssyncadd.s32 $0xFFFFD8F0  }
.Ltmp1:
0x61: {  	s24 =	simm.s32 @!p0 $0x3;
	[bflag:$0x0] =	sbarrier.arrive $0xFFFF;
	(pc) =	sbr.rel @p1 .LBB2_1-.Ltmp1, $4  }
0x62: {  	[hbm:s8], [sflag:s12] =	dma.local @!p0 [spmem:s22], $0x186A  }
0x63: {  	_ =	swait.ge @!p0 [sflag:s24], $0x186A  }
0x64: {  	[sflag:s24] =	ssyncset.done @!p0 $0x0  }
0x65: {  	[sflag:s24] =	ssyncadd.s32 @!p0 $0xFFFFE796  }
0x66: {  	_ =	sfence.sel $0x180000  }
0x67: {  	[bflag:$0x0] =	sbarrier.arrive $0xFFFF  }
0x68: {  	p0 =	sne.s32 s0, $0x0;
	_ =	strace $0x90000047  }
0x69: {  	s0 =	sadd.s32 @!p0 $0x100000, s2;
	[bflag:$0x2] =	sbarrier.arrive $0xFFFF  }
0x6a: {  	[sflag:s0] =	ssyncadd.tile.s32 @!p0 $0x1;
	_ =	shalt  }
.Lfunc_end2:
_tile_overlayer_lowered:
.L_overlay_start_2:
0x6b: {  	(tag) =	ssettag $0x2  }
0x6c: {  	s0 =	rddreg [dreg:$0x0];
	s2 =	stileid.u32  }
0x6d: {  	s1 =	rddreg [dreg:$0x1];
	p0 =	sne.s32 s2, $0x0  }
0x6e: {  	s3 =	rddreg [dreg:$0x2];
	[bflag:$0x3] =	sbarrier.arrive $0xFFFF;
	s2 =	simm.s32 @!p0 $0x1C03  }
0x6f: {  	[timem:s3], [sflag:s2] =	dma.local @!p0 [hbm:s0], s1  }
0x70: {  	s0 =	simm.s32 @!p0 $0x3  }
0x71: {  	_ =	swait.ge @!p0 [sflag:s0], s1  }
0x72: {  	s1 =	ssub.s32 @!p0 $0x0, s1;
	[sflag:s0] =	ssyncset.done @!p0 $0x0  }
0x73: {  	[sflag:s0] =	ssyncadd.s32 @!p0 s1  }
0x74: {  	[bflag:$0x3] =	sbarrier.arrive $0xFFFF  }
0x75: {  	_ =	shalt  }

</sc_bundles>
